<compile_context>
chip_gen: v7x
topology: tpu7x:2x2x1
jax: 0.10.2.dev20260603
libtpu: 0.0.44.dev20260713+nightly
codegen_flags: <defaults>
</compile_context>

<pallas_src>
import functools

import jax
import jax.numpy as jnp
from jax import lax
from jax.experimental import pallas as pl
from jax.experimental.pallas import tpu as pltpu
from jax.experimental.pallas import tpu_sc as plsc

_NUM_CLASSES = 20
_NUM_ANC = 5
_GRID = 13
_BATCH = 16
_NBOX = 8
_NB = _BATCH * _NBOX
_S = 1 + _NUM_CLASSES
_NCELL = _GRID * _GRID
_NROW = _NCELL * _BATCH
_NCH = (_S + 4) * _NUM_ANC
_EPS16 = 0.0009765625
_ANCW = (0.074, 0.147, 0.282, 0.471, 0.784)
_ANCH = (0.060, 0.151, 0.231, 0.425, 0.740)

_DNT = (((1,), (1,)), ((), ()))


def _sc_body(ptp_hbm, gb_hbm, gat_hbm, gb_v, idx_v, rows_v, sem):
    i32 = jnp.int32
    wid = lax.axis_index("c") * 16 + lax.axis_index("s")

    @pl.when(wid == 0)
    def _():
        pltpu.sync_copy(gb_hbm, gb_v)
        lane = lax.iota(i32, 16)
        for i in range(_NBOX):
            lft = gb_v[i, 0, :]
            top = gb_v[i, 1, :]
            rgt = gb_v[i, 2, :]
            btm = gb_v[i, 3, :]
            xsx = (lft + rgt) * (0.5 * _GRID)
            xsy = (top + btm) * (0.5 * _GRID)
            col = xsx.astype(i32)
            row = xsy.astype(i32)
            cell = row * _GRID + col
            idx_v[pl.ds(i * 16, 16)] = cell * _BATCH + lane
        pltpu.async_copy(ptp_hbm.at[idx_v], rows_v, sem).wait()
        pltpu.sync_copy(rows_v, gat_hbm)


_sc_gather = functools.partial(
    pl.kernel,
    out_type=jax.ShapeDtypeStruct((_NB, 128), jnp.float32),
    mesh=plsc.VectorSubcoreMesh(core_axis_name="c", subcore_axis_name="s"),
    scratch_types=[
        pltpu.VMEM((_NBOX, 4, _BATCH), jnp.float32),
        pltpu.VMEM((_NB,), jnp.int32),
        pltpu.VMEM((_NB, 128), jnp.float32),
        pltpu.SemaphoreType.DMA,
    ],
)(_sc_body)


def _tc_body(pt_ref, gb_ref, gl_ref, gat_ref, out_ref):
    f32 = jnp.float32
    i32 = jnp.int32
    lft = gb_ref[:, 0, :]
    top = gb_ref[:, 1, :]
    rgt = gb_ref[:, 2, :]
    btm = gb_ref[:, 3, :]
    glint = gl_ref[...]

    w_g = rgt - lft
    h_g = btm - top
    area_g = w_g * h_g
    best = jnp.full(w_g.shape, -1.0, f32)
    ids = jnp.zeros(w_g.shape, i32)
    for a in range(_NUM_ANC):
        inter = jnp.minimum(w_g, _ANCW[a]) * jnp.minimum(h_g, _ANCH[a])
        iou = inter / (area_g + _ANCW[a] * _ANCH[a] - inter)
        upd = iou > best
        ids = jnp.where(upd, a, ids)
        best = jnp.maximum(iou, best)

    xsx = (lft + rgt) * (0.5 * _GRID)
    xsy = (top + btm) * (0.5 * _GRID)
    flx = jnp.floor(xsx)
    fly = jnp.floor(xsy)
    txx = xsx - flx
    txyy = xsy - fly
    cell = fly.astype(i32) * _GRID + flx.astype(i32)
    aw = jnp.full(w_g.shape, _ANCW[-1], f32)
    ah = jnp.full(w_g.shape, _ANCH[-1], f32)
    for a in range(_NUM_ANC - 2, -1, -1):
        aw = jnp.where(ids == a, _ANCW[a], aw)
        ah = jnp.where(ids == a, _ANCH[a], ah)
    twx = jnp.log(w_g / aw)
    twy = jnp.log(h_g / ah)
    wgt = 2.0 - area_g

    ii = jax.lax.broadcasted_iota(i32, (_NBOX, _NBOX, _BATCH), 0)
    jj = jax.lax.broadcasted_iota(i32, (_NBOX, _NBOX, _BATCH), 1)
    clob = (cell[None, :, :] == cell[:, None, :]) & (jj > ii)
    last = jnp.where(jnp.any(clob, axis=1), 0.0, 1.0)

    gat = jnp.reshape(gat_ref[...], (_NBOX, _BATCH, 128))[:, :, :_NCH]
    pt = pt_ref[...]

    kio5 = jax.lax.broadcasted_iota(i32, (_NUM_ANC, _NCH), 1)
    ai5 = jax.lax.broadcasted_iota(i32, (_NUM_ANC, _NCH), 0)
    eye5 = (kio5 == ai5).astype(f32)
    confT = jax.lax.dot_general(eye5, pt, _DNT, preferred_element_type=f32)
    pcA = jnp.clip(jax.nn.sigmoid(confT), 1e-7, 1.0 - 1e-7)
    fnegA = -0.5 * pcA * pcA * jnp.log(1.0 - pcA)
    ksum = jnp.sum(fnegA, axis=0, keepdims=True)
    rio = jax.lax.broadcasted_iota(i32, (_BATCH, _NROW), 1)
    bio = jax.lax.broadcasted_iota(i32, (_BATCH, _NROW), 0)
    selt = ((rio & (_BATCH - 1)) == bio).astype(f32)
    neg_all = jax.lax.dot_general(ksum, selt, _DNT, preferred_element_type=f32)

    kiota = jax.lax.broadcasted_iota(i32, (_NBOX, _BATCH, _NCH), 2)
    cmap = jnp.floor(kiota.astype(f32) * 0.2).astype(i32)
    amap = kiota - cmap * _NUM_ANC
    am = amap == ids[..., None]
    pcl = jnp.clip(jax.nn.sigmoid(gat), 1e-7, 1.0 - 1e-7)
    logp = jnp.log(pcl)
    log1mp = jnp.log(1.0 - pcl)

    is_conf = cmap == 0
    fneg = -0.5 * pcl * pcl * log1mp
    sub = jnp.sum(jnp.where(is_conf, fneg, 0.0), axis=2)
    fpos = -0.5 * (1.0 - pcl) * (1.0 - pcl) * logp
    cpos = jnp.sum(jnp.where(is_conf & am, fpos, 0.0), axis=2)

    tcls = (cmap == glint[..., None]).astype(f32)
    bce_cls = -(tcls * logp + (1.0 - tcls) * log1mp)
    mcls = (cmap >= 1) & (cmap <= _NUM_CLASSES) & am
    clsv = jnp.sum(jnp.where(mcls, bce_cls, 0.0), axis=2)

    tgxy = jnp.where(cmap == _S, txx[..., None], txyy[..., None])
    bce_xy = -(tgxy * logp + (1.0 - tgxy) * log1mp)
    mxy = ((cmap == _S) | (cmap == _S + 1)) & am
    xyv = jnp.sum(jnp.where(mxy, bce_xy, 0.0), axis=2)

    tgwh = jnp.where(cmap == _S + 2, twx[..., None], twy[..., None])
    dwh = gat - tgwh
    mwh = ((cmap == _S + 2) | (cmap == _S + 3)) & am
    whv = jnp.sum(jnp.where(mwh, dwh * dwh, 0.0), axis=2)

    npos_b = jnp.sum(last, axis=0, keepdims=True)
    sub_i = jnp.sum(last * sub, axis=0, keepdims=True)
    cpos_i = jnp.sum(last * cpos, axis=0, keepdims=True)
    npos_t = jnp.maximum(jnp.sum(npos_b), 1.0)
    nneg_b = jnp.maximum(float(_NCELL * _NUM_ANC) - 5.0 * npos_b, _EPS16)
    npos_bc = jnp.maximum(npos_b, _EPS16)
    l_conf_neg = jnp.sum((neg_all - sub_i) / nneg_b) * (3.0 / _BATCH)
    l_conf_pos = jnp.sum(cpos_i / npos_bc) / _BATCH
    l_cls = jnp.sum(last * clsv) / npos_t
    l_txty = jnp.sum(last * wgt * xyv) / npos_t
    l_twth = jnp.sum(last * wgt * whv) / npos_t

    total = l_conf_pos + l_conf_neg + l_cls + l_txty + l_twth
    out_ref[...] = jnp.broadcast_to(total, (1, 1))


def kernel(pyolos, gboxes_ltrb, glabels):
    pt = pyolos.transpose(2, 3, 0, 1).reshape(_NROW, _NCH)
    ptp = jnp.pad(pt, ((0, 0), (0, 128 - _NCH)))
    gb = gboxes_ltrb.astype(jnp.float32).transpose(1, 2, 0)
    gl = glabels.astype(jnp.int32).transpose(1, 0)
    gat = _sc_gather(ptp, gb)
    out = pl.pallas_call(
        _tc_body,
        out_shape=jax.ShapeDtypeStruct((1, 1), jnp.float32),
    )(pt, gb, gl, gat)
    return out[0, 0]

# --- scband reference (transcript-rebuilt; emitter-appended) ---
"""Pipeline reference for scband-loss-yolo-v2-8761733284305 (READ-ONLY COPY).

The authoritative reference and input builder live on the scoring server;
editing this copy changes nothing except your own understanding.
"""

import jax, jax.numpy as jnp
import numpy as np

NUM_CLASSES = 20
NUM_ANC = 5
GRID = 13
BATCH = 16
NBOX = 8
S_ = 1 + NUM_CLASSES
GDIM = 1 + NUM_CLASSES + 4 + 1 + 4
ANCS_SCALE = jnp.array([[0.074, 0.060], [0.147, 0.151], [0.282, 0.231], [0.471, 0.425], [0.784, 0.740]], dtype=jnp.float32)
EPS16 = 0.0009765625  # torch.finfo(torch.float16).eps
LOSS_W_CLS = 1.0


def x_bce(p, g):
    e = 1e-7
    p = jnp.clip(p, e, 1.0 - e)
    return -(g * jnp.log(p) + (1.0 - g) * jnp.log(1.0 - p))


def match_one(gb, gl):
    # gb: [NBOX,4] ltrb in [0,1]; gl: [NBOX] int labels in [1,NUM_CLASSES]
    xy = (gb[:, :2] + gb[:, 2:]) / 2.0
    wh = gb[:, 2:] - gb[:, :2]
    # wh-only IoU vs anchors (both centered at origin -> intersection = min(w)*min(h))
    inter = jnp.minimum(wh[:, None, 0], ANCS_SCALE[None, :, 0]) * jnp.minimum(wh[:, None, 1], ANCS_SCALE[None, :, 1])
    area_g = (wh[:, 0] * wh[:, 1])[:, None]
    area_a = (ANCS_SCALE[:, 0] * ANCS_SCALE[:, 1])[None, :]
    iou2d = inter / (area_g + area_a - inter)
    ids_p = jnp.argmax(iou2d, axis=-1)
    # boxes_encode4yolo2
    xys = xy * GRID
    colrows = jnp.floor(xys).astype(jnp.int32)
    txy = xys - jnp.floor(xys)
    twh = jnp.log(wh / ANCS_SCALE[ids_p])
    w = 2.0 - wh[:, 0] * wh[:, 1]
    onehot = jax.nn.one_hot(gl - 1, NUM_CLASSES, dtype=jnp.float32)
    g = jnp.zeros((GRID, GRID, NUM_ANC, GDIM), dtype=jnp.float32)
    for i in range(NBOX):
        col = colrows[i, 0]
        row = colrows[i, 1]
        g = g.at[row, col, :, 0].set(-1.0)
        t = jnp.concatenate([jnp.ones((1,), jnp.float32), onehot[i], txy[i], twh[i], w[i][None], gb[i]])
        g = g.at[row, col, ids_p[i]].set(t)
    return g


def forward(pyolos, gboxes_ltrb, glabels):
    b = pyolos.shape[0]
    p = pyolos.reshape(b, S_ + 4, NUM_ANC, -1).transpose(0, 3, 2, 1).reshape(b, -1, S_ + 4)
    gyolos = jax.vmap(match_one)(gboxes_ltrb, glabels).reshape(b, -1, GDIM)
    gconf = gyolos[:, :, 0]
    mask_pos = (gconf > 0).astype(jnp.float32)
    mask_neg = (gconf == 0).astype(jnp.float32)
    nums_pos = jnp.clip(mask_pos.sum(-1), EPS16, None)
    nums_neg = jnp.clip(mask_neg.sum(-1), EPS16, None)
    n_pos_total = jnp.clip(mask_pos.sum(), 1.0, None)
    # ---- cls loss (positives only, masked-sum / n_pos == mean over pos rows) ----
    pcls = jax.nn.sigmoid(p[:, :, 1:S_])
    gcls = gyolos[:, :, 1:S_]
    l_cls = (x_bce(pcls, gcls).sum(-1) * mask_pos).sum() / n_pos_total * LOSS_W_CLS
    # ---- conf focal loss ----
    pconf = jax.nn.sigmoid(p[:, :, 0])
    pc = jnp.clip(pconf, 1e-7, 1.0 - 1e-7)
    alpha = 0.5
    gamma = 2.0
    l_pos = -alpha * jnp.power(1.0 - pc, gamma) * jnp.log(pc) * mask_pos
    l_neg = -(1.0 - alpha) * jnp.power(pc, gamma) * jnp.log(1.0 - pc) * mask_neg
    l_conf_pos = (l_pos.sum(-1) / nums_pos).mean()
    l_conf_neg = (l_neg.sum(-1) / nums_neg).mean() * 3.0
    # ---- box loss (MODE_TRAIN != 4 branch: bce on txy-sigmoid, mse on twh, area weights) ----
    pxy = jax.nn.sigmoid(p[:, :, S_:S_ + 2])
    ptwh = p[:, :, S_ + 2:S_ + 4]
    gtxy = gyolos[:, :, S_:S_ + 2]
    gtwh = gyolos[:, :, S_ + 2:S_ + 4]
    weights = gyolos[:, :, S_ + 4]
    l_txty = (x_bce(pxy, gtxy).sum(-1) * weights * mask_pos).sum() / n_pos_total
    l_twth = (jnp.square(ptwh - gtwh).sum(-1) * weights * mask_pos).sum() / n_pos_total
    return l_conf_pos + l_conf_neg + l_cls + l_txty + l_twth


def setup_inputs(seed: int = 0) -> dict:
    key = jax.random.key(seed)
    k1, k2, k3, k4 = jax.random.split(key, 4)
    pyolos = jax.random.normal(k1, (BATCH, (S_ + 4) * NUM_ANC, GRID, GRID), dtype=jnp.float32) * 0.1
    cxcy = jax.random.uniform(k2, (BATCH, NBOX, 2), minval=0.2, maxval=0.8)
    wh = jax.random.uniform(k3, (BATCH, NBOX, 2), minval=0.05, maxval=0.3)
    gboxes_ltrb = jnp.concatenate([cxcy - wh / 2.0, cxcy + wh / 2.0], axis=-1).astype(jnp.float32)
    glabels = jax.random.randint(k4, (BATCH, NBOX), 1, NUM_CLASSES + 1)
    return {"pyolos": pyolos, "gboxes_ltrb": gboxes_ltrb, "glabels": glabels}


def reference(pyolos, gboxes_ltrb, glabels):
    return forward(pyolos, gboxes_ltrb, glabels)

if __name__ == "__main__":
    import jax
    _d = setup_inputs()
    print(jax.jit(kernel)(*tuple(_d.values())))

</pallas_src>

<mosaic_0001>
#map = affine_map<(d0, d1) -> (0, 0)>
#map1 = affine_map<(d0, d1) -> (0, 0, 0)>
module attributes {stable_mosaic.version = 14 : i64} {
  func.func @_sc_body(%arg0: i32, %arg1: i32, %arg2: memref<2704x128xf32, #tpu.memory_space<hbm>>, %arg3: memref<8x4x16xf32, #tpu.memory_space<hbm>>, %arg4: memref<128x128xf32, #tpu.memory_space<hbm>>, %arg5: memref<8x4x16xf32, #tpu.memory_space<vmem>>, %arg6: memref<128xi32, #tpu.memory_space<vmem>>, %arg7: memref<128x128xf32, #tpu.memory_space<vmem>>, %arg8: memref<!tpu.dma_semaphore, #tpu.memory_space<semaphore_mem>>) attributes {dimension_semantics = [#tpu.dimension_semantics<core_parallel>, #tpu.dimension_semantics<subcore_parallel>], iteration_bounds = array<i64: 2, 16>, scalar_prefetch = 0 : i64, scratch_operands = 4 : i64, tpu.core_type = #tpu.core_type<sc_vector_subcore>, window_params = [{transform_indices = #map}, {transform_indices = #map1}, {transform_indices = #map}]} {
    %mul3A = arith.constant 16 : i32
    %mul3A_0 = arith.muli %arg0, %mul3A : i32
    %add3A = arith.addi %mul3A_0, %arg1 : i32
    %eq3A = arith.constant 0 : i32
    %eq3A_1 = arith.cmpi eq, %add3A, %eq3A : i32
    %convert_element_type3A = arith.extui %eq3A_1 : i1 to i32
    %cond3A = arith.constant 0 : i32
    %cond3A_2 = arith.cmpi ne, %convert_element_type3A, %cond3A : i32
    scf.if %cond3A_2 {
      "tpu.region"() ({
        %run_scoped3A = tpu.sem_alloc : memref<!tpu.dma_semaphore, #tpu.memory_space<semaphore_mem>>
        tpu.enqueue_dma source(%arg3 : memref<8x4x16xf32, #tpu.memory_space<hbm>>) target(%arg5 : memref<8x4x16xf32, #tpu.memory_space<vmem>>) target_semaphore(%run_scoped3A : memref<!tpu.dma_semaphore, #tpu.memory_space<semaphore_mem>>)
        tpu.wait_dma2 semaphore(%run_scoped3A : memref<!tpu.dma_semaphore, #tpu.memory_space<semaphore_mem>>) src(%arg3 : memref<8x4x16xf32, #tpu.memory_space<hbm>>) dst(%arg5 : memref<8x4x16xf32, #tpu.memory_space<vmem>>)
        tpu.yield
      }) : () -> ()
      %iota3A = tpu.iota {dimensions = array<i32: 0>} : vector<16xi32>
      %get3A = arith.constant 0 : i32
      %get3A_3 = arith.constant 0 : i32
      %get3A_4 = arith.index_cast %get3A : i32 to index
      %get3A_5 = arith.index_cast %get3A_3 : i32 to index
      %get3A_6 = arith.constant 0 : index
      %get3A_7 = tpu.vector_load %arg5[%get3A_4, %get3A_5, %get3A_6] {strides = array<i32>} : memref<8x4x16xf32, #tpu.memory_space<vmem>>, vector<1x1x16xf32>,
      %get3A_8 = vector.shape_cast %get3A_7 : vector<1x1x16xf32> to vector<16xf32>
      %get3A_9 = arith.constant 0 : i32
      %get3A_10 = arith.constant 1 : i32
      %get3A_11 = arith.index_cast %get3A_9 : i32 to index
      %get3A_12 = arith.index_cast %get3A_10 : i32 to index
      %get3A_13 = arith.constant 0 : index
      %get3A_14 = tpu.vector_load %arg5[%get3A_11, %get3A_12, %get3A_13] {strides = array<i32>} : memref<8x4x16xf32, #tpu.memory_space<vmem>>, vector<1x1x16xf32>,
      %get3A_15 = vector.shape_cast %get3A_14 : vector<1x1x16xf32> to vector<16xf32>
      %get3A_16 = arith.constant 0 : i32
      %get3A_17 = arith.constant 2 : i32
      %get3A_18 = arith.index_cast %get3A_16 : i32 to index
      %get3A_19 = arith.index_cast %get3A_17 : i32 to index
      %get3A_20 = arith.constant 0 : index
      %get3A_21 = tpu.vector_load %arg5[%get3A_18, %get3A_19, %get3A_20] {strides = array<i32>} : memref<8x4x16xf32, #tpu.memory_space<vmem>>, vector<1x1x16xf32>,
      %get3A_22 = vector.shape_cast %get3A_21 : vector<1x1x16xf32> to vector<16xf32>
      %get3A_23 = arith.constant 0 : i32
      %get3A_24 = arith.constant 3 : i32
      %get3A_25 = arith.index_cast %get3A_23 : i32 to index
      %get3A_26 = arith.index_cast %get3A_24 : i32 to index
      %get3A_27 = arith.constant 0 : index
      %get3A_28 = tpu.vector_load %arg5[%get3A_25, %get3A_26, %get3A_27] {strides = array<i32>} : memref<8x4x16xf32, #tpu.memory_space<vmem>>, vector<1x1x16xf32>,
      %get3A_29 = vector.shape_cast %get3A_28 : vector<1x1x16xf32> to vector<16xf32>
      %add3A_30 = arith.addf %get3A_8, %get3A_22 : vector<16xf32>
      %mul3A_31 = arith.constant 6.500000e+00 : f32
      %mul3A_32 = vector.broadcast %mul3A_31 : f32 to vector<16xf32>
      %mul3A_33 = arith.mulf %add3A_30, %mul3A_32 : vector<16xf32>
      %add3A_34 = arith.addf %get3A_15, %get3A_29 : vector<16xf32>
      %mul3A_35 = arith.constant 6.500000e+00 : f32
      %mul3A_36 = vector.broadcast %mul3A_35 : f32 to vector<16xf32>
      %mul3A_37 = arith.mulf %add3A_34, %mul3A_36 : vector<16xf32>
      %convert_element_type3A_38 = arith.fptosi %mul3A_33 : vector<16xf32> to vector<16xi32>
      %convert_element_type3A_39 = arith.fptosi %mul3A_37 : vector<16xf32> to vector<16xi32>
      %mul3A_40 = arith.constant 13 : i32
      %mul3A_41 = vector.broadcast %mul3A_40 : i32 to vector<16xi32>
      %mul3A_42 = arith.muli %convert_element_type3A_39, %mul3A_41 : vector<16xi32>
      %add3A_43 = arith.addi %mul3A_42, %convert_element_type3A_38 : vector<16xi32>
      %mul3A_44 = arith.constant 16 : i32
      %mul3A_45 = vector.broadcast %mul3A_44 : i32 to vector<16xi32>
      %mul3A_46 = arith.muli %add3A_43, %mul3A_45 : vector<16xi32>
      %add3A_47 = arith.addi %mul3A_46, %iota3A : vector<16xi32>
      %swap3A = arith.constant 0 : index
      %swap3A_48 = tpu.vector_load %arg6[%swap3A] {strides = array<i32>} : memref<128xi32, #tpu.memory_space<vmem>>, vector<16xi32>,
      %swap3A_49 = vector.shape_cast %swap3A_48 : vector<16xi32> to vector<16xi32>
      %swap3A_50 = vector.shape_cast %add3A_47 : vector<16xi32> to vector<16xi32>
      tpu.vector_store %arg6[%swap3A], %swap3A_50 {strides = array<i32>} : memref<128xi32, #tpu.memory_space<vmem>>, vector<16xi32>,
      %get3A_51 = arith.constant 1 : i32
      %get3A_52 = arith.constant 0 : i32
      %get3A_53 = arith.index_cast %get3A_51 : i32 to index
      %get3A_54 = arith.index_cast %get3A_52 : i32 to index
      %get3A_55 = arith.constant 0 : index
      %get3A_56 = tpu.vector_load %arg5[%get3A_53, %get3A_54, %get3A_55] {strides = array<i32>} : memref<8x4x16xf32, #tpu.memory_space<vmem>>, vector<1x1x16xf32>,
      %get3A_57 = vector.shape_cast %get3A_56 : vector<1x1x16xf32> to vector<16xf32>
      %get3A_58 = arith.constant 1 : i32
      %get3A_59 = arith.constant 1 : i32
      %get3A_60 = arith.index_cast %get3A_58 : i32 to index
      %get3A_61 = arith.index_cast %get3A_59 : i32 to index
      %get3A_62 = arith.constant 0 : index
      %get3A_63 = tpu.vector_load %arg5[%get3A_60, %get3A_61, %get3A_62] {strides = array<i32>} : memref<8x4x16xf32, #tpu.memory_space<vmem>>, vector<1x1x16xf32>,
      %get3A_64 = vector.shape_cast %get3A_63 : vector<1x1x16xf32> to vector<16xf32>
      %get3A_65 = arith.constant 1 : i32
      %get3A_66 = arith.constant 2 : i32
      %get3A_67 = arith.index_cast %get3A_65 : i32 to index
      %get3A_68 = arith.index_cast %get3A_66 : i32 to index
      %get3A_69 = arith.constant 0 : index
      %get3A_70 = tpu.vector_load %arg5[%get3A_67, %get3A_68, %get3A_69] {strides = array<i32>} : memref<8x4x16xf32, #tpu.memory_space<vmem>>, vector<1x1x16xf32>,
      %get3A_71 = vector.shape_cast %get3A_70 : vector<1x1x16xf32> to vector<16xf32>
      %get3A_72 = arith.constant 1 : i32
      %get3A_73 = arith.constant 3 : i32
      %get3A_74 = arith.index_cast %get3A_72 : i32 to index
      %get3A_75 = arith.index_cast %get3A_73 : i32 to index
      %get3A_76 = arith.constant 0 : index
      %get3A_77 = tpu.vector_load %arg5[%get3A_74, %get3A_75, %get3A_76] {strides = array<i32>} : memref<8x4x16xf32, #tpu.memory_space<vmem>>, vector<1x1x16xf32>,
      %get3A_78 = vector.shape_cast %get3A_77 : vector<1x1x16xf32> to vector<16xf32>
      %add3A_79 = arith.addf %get3A_57, %get3A_71 : vector<16xf32>
      %mul3A_80 = arith.constant 6.500000e+00 : f32
      %mul3A_81 = vector.broadcast %mul3A_80 : f32 to vector<16xf32>
      %mul3A_82 = arith.mulf %add3A_79, %mul3A_81 : vector<16xf32>
      %add3A_83 = arith.addf %get3A_64, %get3A_78 : vector<16xf32>
      %mul3A_84 = arith.constant 6.500000e+00 : f32
      %mul3A_85 = vector.broadcast %mul3A_84 : f32 to vector<16xf32>
      %mul3A_86 = arith.mulf %add3A_83, %mul3A_85 : vector<16xf32>
      %convert_element_type3A_87 = arith.fptosi %mul3A_82 : vector<16xf32> to vector<16xi32>
      %convert_element_type3A_88 = arith.fptosi %mul3A_86 : vector<16xf32> to vector<16xi32>
      %mul3A_89 = arith.constant 13 : i32
      %mul3A_90 = vector.broadcast %mul3A_89 : i32 to vector<16xi32>
      %mul3A_91 = arith.muli %convert_element_type3A_88, %mul3A_90 : vector<16xi32>
      %add3A_92 = arith.addi %mul3A_91, %convert_element_type3A_87 : vector<16xi32>
      %mul3A_93 = arith.constant 16 : i32
      %mul3A_94 = vector.broadcast %mul3A_93 : i32 to vector<16xi32>
      %mul3A_95 = arith.muli %add3A_92, %mul3A_94 : vector<16xi32>
      %add3A_96 = arith.addi %mul3A_95, %iota3A : vector<16xi32>
      %swap3A_97 = arith.constant 16 : index
      %swap3A_98 = tpu.vector_load %arg6[%swap3A_97] {strides = array<i32>} : memref<128xi32, #tpu.memory_space<vmem>>, vector<16xi32>,
      %swap3A_99 = vector.shape_cast %swap3A_98 : vector<16xi32> to vector<16xi32>
      %swap3A_100 = vector.shape_cast %add3A_96 : vector<16xi32> to vector<16xi32>
      tpu.vector_store %arg6[%swap3A_97], %swap3A_100 {strides = array<i32>} : memref<128xi32, #tpu.memory_space<vmem>>, vector<16xi32>,
      %get3A_101 = arith.constant 2 : i32
      %get3A_102 = arith.constant 0 : i32
      %get3A_103 = arith.index_cast %get3A_101 : i32 to index
      %get3A_104 = arith.index_cast %get3A_102 : i32 to index
      %get3A_105 = arith.constant 0 : index
      %get3A_106 = tpu.vector_load %arg5[%get3A_103, %get3A_104, %get3A_105] {strides = array<i32>} : memref<8x4x16xf32, #tpu.memory_space<vmem>>, vector<1x1x16xf32>,
      %get3A_107 = vector.shape_cast %get3A_106 : vector<1x1x16xf32> to vector<16xf32>
      %get3A_108 = arith.constant 2 : i32
      %get3A_109 = arith.constant 1 : i32
      %get3A_110 = arith.index_cast %get3A_108 : i32 to index
      %get3A_111 = arith.index_cast %get3A_109 : i32 to index
      %get3A_112 = arith.constant 0 : index
      %get3A_113 = tpu.vector_load %arg5[%get3A_110, %get3A_111, %get3A_112] {strides = array<i32>} : memref<8x4x16xf32, #tpu.memory_space<vmem>>, vector<1x1x16xf32>,
      %get3A_114 = vector.shape_cast %get3A_113 : vector<1x1x16xf32> to vector<16xf32>
      %get3A_115 = arith.constant 2 : i32
      %get3A_116 = arith.constant 2 : i32
      %get3A_117 = arith.index_cast %get3A_115 : i32 to index
      %get3A_118 = arith.index_cast %get3A_116 : i32 to index
      %get3A_119 = arith.constant 0 : index
      %get3A_120 = tpu.vector_load %arg5[%get3A_117, %get3A_118, %get3A_119] {strides = array<i32>} : memref<8x4x16xf32, #tpu.memory_space<vmem>>, vector<1x1x16xf32>,
      %get3A_121 = vector.shape_cast %get3A_120 : vector<1x1x16xf32> to vector<16xf32>
      %get3A_122 = arith.constant 2 : i32
      %get3A_123 = arith.constant 3 : i32
      %get3A_124 = arith.index_cast %get3A_122 : i32 to index
      %get3A_125 = arith.index_cast %get3A_123 : i32 to index
      %get3A_126 = arith.constant 0 : index
      %get3A_127 = tpu.vector_load %arg5[%get3A_124, %get3A_125, %get3A_126] {strides = array<i32>} : memref<8x4x16xf32, #tpu.memory_space<vmem>>, vector<1x1x16xf32>,
      %get3A_128 = vector.shape_cast %get3A_127 : vector<1x1x16xf32> to vector<16xf32>
      %add3A_129 = arith.addf %get3A_107, %get3A_121 : vector<16xf32>
      %mul3A_130 = arith.constant 6.500000e+00 : f32
      %mul3A_131 = vector.broadcast %mul3A_130 : f32 to vector<16xf32>
      %mul3A_132 = arith.mulf %add3A_129, %mul3A_131 : vector<16xf32>
      %add3A_133 = arith.addf %get3A_114, %get3A_128 : vector<16xf32>
      %mul3A_134 = arith.constant 6.500000e+00 : f32
      %mul3A_135 = vector.broadcast %mul3A_134 : f32 to vector<16xf32>
      %mul3A_136 = arith.mulf %add3A_133, %mul3A_135 : vector<16xf32>
      %convert_element_type3A_137 = arith.fptosi %mul3A_132 : vector<16xf32> to vector<16xi32>
      %convert_element_type3A_138 = arith.fptosi %mul3A_136 : vector<16xf32> to vector<16xi32>
      %mul3A_139 = arith.constant 13 : i32
      %mul3A_140 = vector.broadcast %mul3A_139 : i32 to vector<16xi32>
      %mul3A_141 = arith.muli %convert_element_type3A_138, %mul3A_140 : vector<16xi32>
      %add3A_142 = arith.addi %mul3A_141, %convert_element_type3A_137 : vector<16xi32>
      %mul3A_143 = arith.constant 16 : i32
      %mul3A_144 = vector.broadcast %mul3A_143 : i32 to vector<16xi32>
      %mul3A_145 = arith.muli %add3A_142, %mul3A_144 : vector<16xi32>
      %add3A_146 = arith.addi %mul3A_145, %iota3A : vector<16xi32>
      %swap3A_147 = arith.constant 32 : index
      %swap3A_148 = tpu.vector_load %arg6[%swap3A_147] {strides = array<i32>} : memref<128xi32, #tpu.memory_space<vmem>>, vector<16xi32>,
      %swap3A_149 = vector.shape_cast %swap3A_148 : vector<16xi32> to vector<16xi32>
      %swap3A_150 = vector.shape_cast %add3A_146 : vector<16xi32> to vector<16xi32>
      tpu.vector_store %arg6[%swap3A_147], %swap3A_150 {strides = array<i32>} : memref<128xi32, #tpu.memory_space<vmem>>, vector<16xi32>,
      %get3A_151 = arith.constant 3 : i32
      %get3A_152 = arith.constant 0 : i32
      %get3A_153 = arith.index_cast %get3A_151 : i32 to index
      %get3A_154 = arith.index_cast %get3A_152 : i32 to index
      %get3A_155 = arith.constant 0 : index
      %get3A_156 = tpu.vector_load %arg5[%get3A_153, %get3A_154, %get3A_155] {strides = array<i32>} : memref<8x4x16xf32, #tpu.memory_space<vmem>>, vector<1x1x16xf32>,
      %get3A_157 = vector.shape_cast %get3A_156 : vector<1x1x16xf32> to vector<16xf32>
      %get3A_158 = arith.constant 3 : i32
      %get3A_159 = arith.constant 1 : i32
      %get3A_160 = arith.index_cast %get3A_158 : i32 to index
      %get3A_161 = arith.index_cast %get3A_159 : i32 to index
      %get3A_162 = arith.constant 0 : index
      %get3A_163 = tpu.vector_load %arg5[%get3A_160, %get3A_161, %get3A_162] {strides = array<i32>} : memref<8x4x16xf32, #tpu.memory_space<vmem>>, vector<1x1x16xf32>,
      %get3A_164 = vector.shape_cast %get3A_163 : vector<1x1x16xf32> to vector<16xf32>
      %get3A_165 = arith.constant 3 : i32
      %get3A_166 = arith.constant 2 : i32
      %get3A_167 = arith.index_cast %get3A_165 : i32 to index
      %get3A_168 = arith.index_cast %get3A_166 : i32 to index
      %get3A_169 = arith.constant 0 : index
      %get3A_170 = tpu.vector_load %arg5[%get3A_167, %get3A_168, %get3A_169] {strides = array<i32>} : memref<8x4x16xf32, #tpu.memory_space<vmem>>, vector<1x1x16xf32>,
      %get3A_171 = vector.shape_cast %get3A_170 : vector<1x1x16xf32> to vector<16xf32>
      %get3A_172 = arith.constant 3 : i32
      %get3A_173 = arith.constant 3 : i32
      %get3A_174 = arith.index_cast %get3A_172 : i32 to index
      %get3A_175 = arith.index_cast %get3A_173 : i32 to index
      %get3A_176 = arith.constant 0 : index
      %get3A_177 = tpu.vector_load %arg5[%get3A_174, %get3A_175, %get3A_176] {strides = array<i32>} : memref<8x4x16xf32, #tpu.memory_space<vmem>>, vector<1x1x16xf32>,
      %get3A_178 = vector.shape_cast %get3A_177 : vector<1x1x16xf32> to vector<16xf32>
      %add3A_179 = arith.addf %get3A_157, %get3A_171 : vector<16xf32>
      %mul3A_180 = arith.constant 6.500000e+00 : f32
      %mul3A_181 = vector.broadcast %mul3A_180 : f32 to vector<16xf32>
      %mul3A_182 = arith.mulf %add3A_179, %mul3A_181 : vector<16xf32>
      %add3A_183 = arith.addf %get3A_164, %get3A_178 : vector<16xf32>
      %mul3A_184 = arith.constant 6.500000e+00 : f32
      %mul3A_185 = vector.broadcast %mul3A_184 : f32 to vector<16xf32>
      %mul3A_186 = arith.mulf %add3A_183, %mul3A_185 : vector<16xf32>
      %convert_element_type3A_187 = arith.fptosi %mul3A_182 : vector<16xf32> to vector<16xi32>
      %convert_element_type3A_188 = arith.fptosi %mul3A_186 : vector<16xf32> to vector<16xi32>
      %mul3A_189 = arith.constant 13 : i32
      %mul3A_190 = vector.broadcast %mul3A_189 : i32 to vector<16xi32>
      %mul3A_191 = arith.muli %convert_element_type3A_188, %mul3A_190 : vector<16xi32>
      %add3A_192 = arith.addi %mul3A_191, %convert_element_type3A_187 : vector<16xi32>
      %mul3A_193 = arith.constant 16 : i32
      %mul3A_194 = vector.broadcast %mul3A_193 : i32 to vector<16xi32>
      %mul3A_195 = arith.muli %add3A_192, %mul3A_194 : vector<16xi32>
      %add3A_196 = arith.addi %mul3A_195, %iota3A : vector<16xi32>
      %swap3A_197 = arith.constant 48 : index
      %swap3A_198 = tpu.vector_load %arg6[%swap3A_197] {strides = array<i32>} : memref<128xi32, #tpu.memory_space<vmem>>, vector<16xi32>,
      %swap3A_199 = vector.shape_cast %swap3A_198 : vector<16xi32> to vector<16xi32>
      %swap3A_200 = vector.shape_cast %add3A_196 : vector<16xi32> to vector<16xi32>
      tpu.vector_store %arg6[%swap3A_197], %swap3A_200 {strides = array<i32>} : memref<128xi32, #tpu.memory_space<vmem>>, vector<16xi32>,
      %get3A_201 = arith.constant 4 : i32
      %get3A_202 = arith.constant 0 : i32
      %get3A_203 = arith.index_cast %get3A_201 : i32 to index
      %get3A_204 = arith.index_cast %get3A_202 : i32 to index
      %get3A_205 = arith.constant 0 : index
      %get3A_206 = tpu.vector_load %arg5[%get3A_203, %get3A_204, %get3A_205] {strides = array<i32>} : memref<8x4x16xf32, #tpu.memory_space<vmem>>, vector<1x1x16xf32>,
      %get3A_207 = vector.shape_cast %get3A_206 : vector<1x1x16xf32> to vector<16xf32>
      %get3A_208 = arith.constant 4 : i32
      %get3A_209 = arith.constant 1 : i32
      %get3A_210 = arith.index_cast %get3A_208 : i32 to index
      %get3A_211 = arith.index_cast %get3A_209 : i32 to index
      %get3A_212 = arith.constant 0 : index
      %get3A_213 = tpu.vector_load %arg5[%get3A_210, %get3A_211, %get3A_212] {strides = array<i32>} : memref<8x4x16xf32, #tpu.memory_space<vmem>>, vector<1x1x16xf32>,
      %get3A_214 = vector.shape_cast %get3A_213 : vector<1x1x16xf32> to vector<16xf32>
      %get3A_215 = arith.constant 4 : i32
      %get3A_216 = arith.constant 2 : i32
      %get3A_217 = arith.index_cast %get3A_215 : i32 to index
      %get3A_218 = arith.index_cast %get3A_216 : i32 to index
      %get3A_219 = arith.constant 0 : index
      %get3A_220 = tpu.vector_load %arg5[%get3A_217, %get3A_218, %get3A_219] {strides = array<i32>} : memref<8x4x16xf32, #tpu.memory_space<vmem>>, vector<1x1x16xf32>,
      %get3A_221 = vector.shape_cast %get3A_220 : vector<1x1x16xf32> to vector<16xf32>
      %get3A_222 = arith.constant 4 : i32
      %get3A_223 = arith.constant 3 : i32
      %get3A_224 = arith.index_cast %get3A_222 : i32 to index
      %get3A_225 = arith.index_cast %get3A_223 : i32 to index
      %get3A_226 = arith.constant 0 : index
      %get3A_227 = tpu.vector_load %arg5[%get3A_224, %get3A_225, %get3A_226] {strides = array<i32>} : memref<8x4x16xf32, #tpu.memory_space<vmem>>, vector<1x1x16xf32>,
      %get3A_228 = vector.shape_cast %get3A_227 : vector<1x1x16xf32> to vector<16xf32>
      %add3A_229 = arith.addf %get3A_207, %get3A_221 : vector<16xf32>
      %mul3A_230 = arith.constant 6.500000e+00 : f32
      %mul3A_231 = vector.broadcast %mul3A_230 : f32 to vector<16xf32>
      %mul3A_232 = arith.mulf %add3A_229, %mul3A_231 : vector<16xf32>
      %add3A_233 = arith.addf %get3A_214, %get3A_228 : vector<16xf32>
      %mul3A_234 = arith.constant 6.500000e+00 : f32
      %mul3A_235 = vector.broadcast %mul3A_234 : f32 to vector<16xf32>
      %mul3A_236 = arith.mulf %add3A_233, %mul3A_235 : vector<16xf32>
      %convert_element_type3A_237 = arith.fptosi %mul3A_232 : vector<16xf32> to vector<16xi32>
      %convert_element_type3A_238 = arith.fptosi %mul3A_236 : vector<16xf32> to vector<16xi32>
      %mul3A_239 = arith.constant 13 : i32
      %mul3A_240 = vector.broadcast %mul3A_239 : i32 to vector<16xi32>
      %mul3A_241 = arith.muli %convert_element_type3A_238, %mul3A_240 : vector<16xi32>
      %add3A_242 = arith.addi %mul3A_241, %convert_element_type3A_237 : vector<16xi32>
      %mul3A_243 = arith.constant 16 : i32
      %mul3A_244 = vector.broadcast %mul3A_243 : i32 to vector<16xi32>
      %mul3A_245 = arith.muli %add3A_242, %mul3A_244 : vector<16xi32>
      %add3A_246 = arith.addi %mul3A_245, %iota3A : vector<16xi32>
      %swap3A_247 = arith.constant 64 : index
      %swap3A_248 = tpu.vector_load %arg6[%swap3A_247] {strides = array<i32>} : memref<128xi32, #tpu.memory_space<vmem>>, vector<16xi32>,
      %swap3A_249 = vector.shape_cast %swap3A_248 : vector<16xi32> to vector<16xi32>
      %swap3A_250 = vector.shape_cast %add3A_246 : vector<16xi32> to vector<16xi32>
      tpu.vector_store %arg6[%swap3A_247], %swap3A_250 {strides = array<i32>} : memref<128xi32, #tpu.memory_space<vmem>>, vector<16xi32>,
      %get3A_251 = arith.constant 5 : i32
      %get3A_252 = arith.constant 0 : i32
      %get3A_253 = arith.index_cast %get3A_251 : i32 to index
      %get3A_254 = arith.index_cast %get3A_252 : i32 to index
      %get3A_255 = arith.constant 0 : index
      %get3A_256 = tpu.vector_load %arg5[%get3A_253, %get3A_254, %get3A_255] {strides = array<i32>} : memref<8x4x16xf32, #tpu.memory_space<vmem>>, vector<1x1x16xf32>,
      %get3A_257 = vector.shape_cast %get3A_256 : vector<1x1x16xf32> to vector<16xf32>
      %get3A_258 = arith.constant 5 : i32
      %get3A_259 = arith.constant 1 : i32
      %get3A_260 = arith.index_cast %get3A_258 : i32 to index
      %get3A_261 = arith.index_cast %get3A_259 : i32 to index
      %get3A_262 = arith.constant 0 : index
      %get3A_263 = tpu.vector_load %arg5[%get3A_260, %get3A_261, %get3A_262] {strides = array<i32>} : memref<8x4x16xf32, #tpu.memory_space<vmem>>, vector<1x1x16xf32>,
      %get3A_264 = vector.shape_cast %get3A_263 : vector<1x1x16xf32> to vector<16xf32>
      %get3A_265 = arith.constant 5 : i32
      %get3A_266 = arith.constant 2 : i32
      %get3A_267 = arith.index_cast %get3A_265 : i32 to index
      %get3A_268 = arith.index_cast %get3A_266 : i32 to index
      %get3A_269 = arith.constant 0 : index
      %get3A_270 = tpu.vector_load %arg5[%get3A_267, %get3A_268, %get3A_269] {strides = array<i32>} : memref<8x4x16xf32, #tpu.memory_space<vmem>>, vector<1x1x16xf32>,
      %get3A_271 = vector.shape_cast %get3A_270 : vector<1x1x16xf32> to vector<16xf32>
      %get3A_272 = arith.constant 5 : i32
      %get3A_273 = arith.constant 3 : i32
      %get3A_274 = arith.index_cast %get3A_272 : i32 to index
      %get3A_275 = arith.index_cast %get3A_273 : i32 to index
      %get3A_276 = arith.constant 0 : index
      %get3A_277 = tpu.vector_load %arg5[%get3A_274, %get3A_275, %get3A_276] {strides = array<i32>} : memref<8x4x16xf32, #tpu.memory_space<vmem>>, vector<1x1x16xf32>,
      %get3A_278 = vector.shape_cast %get3A_277 : vector<1x1x16xf32> to vector<16xf32>
      %add3A_279 = arith.addf %get3A_257, %get3A_271 : vector<16xf32>
      %mul3A_280 = arith.constant 6.500000e+00 : f32
      %mul3A_281 = vector.broadcast %mul3A_280 : f32 to vector<16xf32>
      %mul3A_282 = arith.mulf %add3A_279, %mul3A_281 : vector<16xf32>
      %add3A_283 = arith.addf %get3A_264, %get3A_278 : vector<16xf32>
      %mul3A_284 = arith.constant 6.500000e+00 : f32
      %mul3A_285 = vector.broadcast %mul3A_284 : f32 to vector<16xf32>
      %mul3A_286 = arith.mulf %add3A_283, %mul3A_285 : vector<16xf32>
      %convert_element_type3A_287 = arith.fptosi %mul3A_282 : vector<16xf32> to vector<16xi32>
      %convert_element_type3A_288 = arith.fptosi %mul3A_286 : vector<16xf32> to vector<16xi32>
      %mul3A_289 = arith.constant 13 : i32
      %mul3A_290 = vector.broadcast %mul3A_289 : i32 to vector<16xi32>
      %mul3A_291 = arith.muli %convert_element_type3A_288, %mul3A_290 : vector<16xi32>
      %add3A_292 = arith.addi %mul3A_291, %convert_element_type3A_287 : vector<16xi32>
      %mul3A_293 = arith.constant 16 : i32
      %mul3A_294 = vector.broadcast %mul3A_293 : i32 to vector<16xi32>
      %mul3A_295 = arith.muli %add3A_292, %mul3A_294 : vector<16xi32>
      %add3A_296 = arith.addi %mul3A_295, %iota3A : vector<16xi32>
      %swap3A_297 = arith.constant 80 : index
      %swap3A_298 = tpu.vector_load %arg6[%swap3A_297] {strides = array<i32>} : memref<128xi32, #tpu.memory_space<vmem>>, vector<16xi32>,
      %swap3A_299 = vector.shape_cast %swap3A_298 : vector<16xi32> to vector<16xi32>
      %swap3A_300 = vector.shape_cast %add3A_296 : vector<16xi32> to vector<16xi32>
      tpu.vector_store %arg6[%swap3A_297], %swap3A_300 {strides = array<i32>} : memref<128xi32, #tpu.memory_space<vmem>>, vector<16xi32>,
      %get3A_301 = arith.constant 6 : i32
      %get3A_302 = arith.constant 0 : i32
      %get3A_303 = arith.index_cast %get3A_301 : i32 to index
      %get3A_304 = arith.index_cast %get3A_302 : i32 to index
      %get3A_305 = arith.constant 0 : index
      %get3A_306 = tpu.vector_load %arg5[%get3A_303, %get3A_304, %get3A_305] {strides = array<i32>} : memref<8x4x16xf32, #tpu.memory_space<vmem>>, vector<1x1x16xf32>,
      %get3A_307 = vector.shape_cast %get3A_306 : vector<1x1x16xf32> to vector<16xf32>
      %get3A_308 = arith.constant 6 : i32
      %get3A_309 = arith.constant 1 : i32
      %get3A_310 = arith.index_cast %get3A_308 : i32 to index
      %get3A_311 = arith.index_cast %get3A_309 : i32 to index
      %get3A_312 = arith.constant 0 : index
      %get3A_313 = tpu.vector_load %arg5[%get3A_310, %get3A_311, %get3A_312] {strides = array<i32>} : memref<8x4x16xf32, #tpu.memory_space<vmem>>, vector<1x1x16xf32>,
      %get3A_314 = vector.shape_cast %get3A_313 : vector<1x1x16xf32> to vector<16xf32>
      %get3A_315 = arith.constant 6 : i32
      %get3A_316 = arith.constant 2 : i32
      %get3A_317 = arith.index_cast %get3A_315 : i32 to index
      %get3A_318 = arith.index_cast %get3A_316 : i32 to index
      %get3A_319 = arith.constant 0 : index
      %get3A_320 = tpu.vector_load %arg5[%get3A_317, %get3A_318, %get3A_319] {strides = array<i32>} : memref<8x4x16xf32, #tpu.memory_space<vmem>>, vector<1x1x16xf32>,
      %get3A_321 = vector.shape_cast %get3A_320 : vector<1x1x16xf32> to vector<16xf32>
      %get3A_322 = arith.constant 6 : i32
      %get3A_323 = arith.constant 3 : i32
      %get3A_324 = arith.index_cast %get3A_322 : i32 to index
      %get3A_325 = arith.index_cast %get3A_323 : i32 to index
      %get3A_326 = arith.constant 0 : index
      %get3A_327 = tpu.vector_load %arg5[%get3A_324, %get3A_325, %get3A_326] {strides = array<i32>} : memref<8x4x16xf32, #tpu.memory_space<vmem>>, vector<1x1x16xf32>,
      %get3A_328 = vector.shape_cast %get3A_327 : vector<1x1x16xf32> to vector<16xf32>
      %add3A_329 = arith.addf %get3A_307, %get3A_321 : vector<16xf32>
      %mul3A_330 = arith.constant 6.500000e+00 : f32
      %mul3A_331 = vector.broadcast %mul3A_330 : f32 to vector<16xf32>
      %mul3A_332 = arith.mulf %add3A_329, %mul3A_331 : vector<16xf32>
      %add3A_333 = arith.addf %get3A_314, %get3A_328 : vector<16xf32>
      %mul3A_334 = arith.constant 6.500000e+00 : f32
      %mul3A_335 = vector.broadcast %mul3A_334 : f32 to vector<16xf32>
      %mul3A_336 = arith.mulf %add3A_333, %mul3A_335 : vector<16xf32>
      %convert_element_type3A_337 = arith.fptosi %mul3A_332 : vector<16xf32> to vector<16xi32>
      %convert_element_type3A_338 = arith.fptosi %mul3A_336 : vector<16xf32> to vector<16xi32>
      %mul3A_339 = arith.constant 13 : i32
      %mul3A_340 = vector.broadcast %mul3A_339 : i32 to vector<16xi32>
      %mul3A_341 = arith.muli %convert_element_type3A_338, %mul3A_340 : vector<16xi32>
      %add3A_342 = arith.addi %mul3A_341, %convert_element_type3A_337 : vector<16xi32>
      %mul3A_343 = arith.constant 16 : i32
      %mul3A_344 = vector.broadcast %mul3A_343 : i32 to vector<16xi32>
      %mul3A_345 = arith.muli %add3A_342, %mul3A_344 : vector<16xi32>
      %add3A_346 = arith.addi %mul3A_345, %iota3A : vector<16xi32>
      %swap3A_347 = arith.constant 96 : index
      %swap3A_348 = tpu.vector_load %arg6[%swap3A_347] {strides = array<i32>} : memref<128xi32, #tpu.memory_space<vmem>>, vector<16xi32>,
      %swap3A_349 = vector.shape_cast %swap3A_348 : vector<16xi32> to vector<16xi32>
      %swap3A_350 = vector.shape_cast %add3A_346 : vector<16xi32> to vector<16xi32>
      tpu.vector_store %arg6[%swap3A_347], %swap3A_350 {strides = array<i32>} : memref<128xi32, #tpu.memory_space<vmem>>, vector<16xi32>,
      %get3A_351 = arith.constant 7 : i32
      %get3A_352 = arith.constant 0 : i32
      %get3A_353 = arith.index_cast %get3A_351 : i32 to index
      %get3A_354 = arith.index_cast %get3A_352 : i32 to index
      %get3A_355 = arith.constant 0 : index
      %get3A_356 = tpu.vector_load %arg5[%get3A_353, %get3A_354, %get3A_355] {strides = array<i32>} : memref<8x4x16xf32, #tpu.memory_space<vmem>>, vector<1x1x16xf32>,
      %get3A_357 = vector.shape_cast %get3A_356 : vector<1x1x16xf32> to vector<16xf32>
      %get3A_358 = arith.constant 7 : i32
      %get3A_359 = arith.constant 1 : i32
      %get3A_360 = arith.index_cast %get3A_358 : i32 to index
      %get3A_361 = arith.index_cast %get3A_359 : i32 to index
      %get3A_362 = arith.constant 0 : index
      %get3A_363 = tpu.vector_load %arg5[%get3A_360, %get3A_361, %get3A_362] {strides = array<i32>} : memref<8x4x16xf32, #tpu.memory_space<vmem>>, vector<1x1x16xf32>,
      %get3A_364 = vector.shape_cast %get3A_363 : vector<1x1x16xf32> to vector<16xf32>
      %get3A_365 = arith.constant 7 : i32
      %get3A_366 = arith.constant 2 : i32
      %get3A_367 = arith.index_cast %get3A_365 : i32 to index
      %get3A_368 = arith.index_cast %get3A_366 : i32 to index
      %get3A_369 = arith.constant 0 : index
      %get3A_370 = tpu.vector_load %arg5[%get3A_367, %get3A_368, %get3A_369] {strides = array<i32>} : memref<8x4x16xf32, #tpu.memory_space<vmem>>, vector<1x1x16xf32>,
      %get3A_371 = vector.shape_cast %get3A_370 : vector<1x1x16xf32> to vector<16xf32>
      %get3A_372 = arith.constant 7 : i32
      %get3A_373 = arith.constant 3 : i32
      %get3A_374 = arith.index_cast %get3A_372 : i32 to index
      %get3A_375 = arith.index_cast %get3A_373 : i32 to index
      %get3A_376 = arith.constant 0 : index
      %get3A_377 = tpu.vector_load %arg5[%get3A_374, %get3A_375, %get3A_376] {strides = array<i32>} : memref<8x4x16xf32, #tpu.memory_space<vmem>>, vector<1x1x16xf32>,
      %get3A_378 = vector.shape_cast %get3A_377 : vector<1x1x16xf32> to vector<16xf32>
      %add3A_379 = arith.addf %get3A_357, %get3A_371 : vector<16xf32>
      %mul3A_380 = arith.constant 6.500000e+00 : f32
      %mul3A_381 = vector.broadcast %mul3A_380 : f32 to vector<16xf32>
      %mul3A_382 = arith.mulf %add3A_379, %mul3A_381 : vector<16xf32>
      %add3A_383 = arith.addf %get3A_364, %get3A_378 : vector<16xf32>
      %mul3A_384 = arith.constant 6.500000e+00 : f32
      %mul3A_385 = vector.broadcast %mul3A_384 : f32 to vector<16xf32>
      %mul3A_386 = arith.mulf %add3A_383, %mul3A_385 : vector<16xf32>
      %convert_element_type3A_387 = arith.fptosi %mul3A_382 : vector<16xf32> to vector<16xi32>
      %convert_element_type3A_388 = arith.fptosi %mul3A_386 : vector<16xf32> to vector<16xi32>
      %mul3A_389 = arith.constant 13 : i32
      %mul3A_390 = vector.broadcast %mul3A_389 : i32 to vector<16xi32>
      %mul3A_391 = arith.muli %convert_element_type3A_388, %mul3A_390 : vector<16xi32>
      %add3A_392 = arith.addi %mul3A_391, %convert_element_type3A_387 : vector<16xi32>
      %mul3A_393 = arith.constant 16 : i32
      %mul3A_394 = vector.broadcast %mul3A_393 : i32 to vector<16xi32>
      %mul3A_395 = arith.muli %add3A_392, %mul3A_394 : vector<16xi32>
      %add3A_396 = arith.addi %mul3A_395, %iota3A : vector<16xi32>
      %swap3A_397 = arith.constant 112 : index
      %swap3A_398 = tpu.vector_load %arg6[%swap3A_397] {strides = array<i32>} : memref<128xi32, #tpu.memory_space<vmem>>, vector<16xi32>,
      %swap3A_399 = vector.shape_cast %swap3A_398 : vector<16xi32> to vector<16xi32>
      %swap3A_400 = vector.shape_cast %add3A_396 : vector<16xi32> to vector<16xi32>
      tpu.vector_store %arg6[%swap3A_397], %swap3A_400 {strides = array<i32>} : memref<128xi32, #tpu.memory_space<vmem>>, vector<16xi32>,
      %dma_start3A = arith.constant 0 : i32
      %dma_start3A_401 = arith.constant 0 : i32
      %dma_start3A_402 = tpu.memref_slice %arg2[%dma_start3A, %dma_start3A_401] : memref<2704x128xf32, #tpu.memory_space<hbm>> -> memref<2704x128xf32, #tpu.memory_space<hbm>>
      tpu.enqueue_indirect_dma source(%dma_start3A_402 : memref<2704x128xf32, #tpu.memory_space<hbm>>) target(%arg7 : memref<128x128xf32, #tpu.memory_space<vmem>>) offsets(%arg6 : memref<128xi32, #tpu.memory_space<vmem>>) semaphore(%arg8 : memref<!tpu.dma_semaphore, #tpu.memory_space<semaphore_mem>>)
      %dma_wait3A = arith.constant 0 : i32
      %dma_wait3A_403 = arith.constant 0 : i32
      %dma_wait3A_404 = tpu.memref_slice %arg2[%dma_wait3A, %dma_wait3A_403] : memref<2704x128xf32, #tpu.memory_space<hbm>> -> memref<2704x128xf32, #tpu.memory_space<hbm>>
      tpu.wait_indirect_dma semaphore(%arg8 : memref<!tpu.dma_semaphore, #tpu.memory_space<semaphore_mem>>) src(%dma_wait3A_404 : memref<2704x128xf32, #tpu.memory_space<hbm>>) dst(%arg7 : memref<128x128xf32, #tpu.memory_space<vmem>>)
      "tpu.region"() ({
        %run_scoped3A = tpu.sem_alloc : memref<!tpu.dma_semaphore, #tpu.memory_space<semaphore_mem>>
        tpu.enqueue_dma source(%arg7 : memref<128x128xf32, #tpu.memory_space<vmem>>) target(%arg4 : memref<128x128xf32, #tpu.memory_space<hbm>>) target_semaphore(%run_scoped3A : memref<!tpu.dma_semaphore, #tpu.memory_space<semaphore_mem>>)
        tpu.wait_dma2 semaphore(%run_scoped3A : memref<!tpu.dma_semaphore, #tpu.memory_space<semaphore_mem>>) src(%arg7 : memref<128x128xf32, #tpu.memory_space<vmem>>) dst(%arg4 : memref<128x128xf32, #tpu.memory_space<hbm>>)
        tpu.yield
      }) : () -> ()
    } else {
    }
    return
  }
}

module attributes {stable_mosaic.version = 14 : i64} {
  func.func @_tc_body(%arg0: memref<2704x125xf32, #tpu.memory_space<vmem>>, %arg1: memref<8x4x16xf32, #tpu.memory_space<vmem>>, %arg2: memref<8x16xi32, #tpu.memory_space<vmem>>, %arg3: memref<128x128xf32, #tpu.memory_space<vmem>>, %arg4: memref<1x1xf32, #tpu.memory_space<vmem>>) attributes {dimension_semantics = [], scalar_prefetch = 0 : i64, scratch_operands = 0 : i64, tpu.core_type = #tpu.core_type<tc>} {
    %get3A = arith.constant 0 : index
    %get3A_0 = arith.constant 0 : index
    %get3A_1 = arith.constant 0 : index
    %get3A_2 = vector.load %arg1[%get3A, %get3A_0, %get3A_1] : memref<8x4x16xf32, #tpu.memory_space<vmem>>, vector<8x1x16xf32>
    %get3A_3 = vector.shape_cast %get3A_2 : vector<8x1x16xf32> to vector<8x16xf32>
    %get3A_4 = arith.constant 0 : index
    %get3A_5 = arith.constant 1 : index
    %get3A_6 = arith.constant 0 : index
    %get3A_7 = vector.load %arg1[%get3A_4, %get3A_5, %get3A_6] : memref<8x4x16xf32, #tpu.memory_space<vmem>>, vector<8x1x16xf32>
    %get3A_8 = vector.shape_cast %get3A_7 : vector<8x1x16xf32> to vector<8x16xf32>
    %get3A_9 = arith.constant 0 : index
    %get3A_10 = arith.constant 2 : index
    %get3A_11 = arith.constant 0 : index
    %get3A_12 = vector.load %arg1[%get3A_9, %get3A_10, %get3A_11] : memref<8x4x16xf32, #tpu.memory_space<vmem>>, vector<8x1x16xf32>
    %get3A_13 = vector.shape_cast %get3A_12 : vector<8x1x16xf32> to vector<8x16xf32>
    %get3A_14 = arith.constant 0 : index
    %get3A_15 = arith.constant 3 : index
    %get3A_16 = arith.constant 0 : index
    %get3A_17 = vector.load %arg1[%get3A_14, %get3A_15, %get3A_16] : memref<8x4x16xf32, #tpu.memory_space<vmem>>, vector<8x1x16xf32>
    %get3A_18 = vector.shape_cast %get3A_17 : vector<8x1x16xf32> to vector<8x16xf32>
    %get3A_19 = arith.constant 0 : index
    %get3A_20 = arith.constant 0 : index
    %get3A_21 = vector.load %arg2[%get3A_19, %get3A_20] : memref<8x16xi32, #tpu.memory_space<vmem>>, vector<8x16xi32>
    %sub3A = arith.subf %get3A_13, %get3A_3 : vector<8x16xf32>
    %sub3A_22 = arith.subf %get3A_18, %get3A_8 : vector<8x16xf32>
    %mul3A = arith.mulf %sub3A, %sub3A_22 : vector<8x16xf32>
    %broadcast_in_dim3A = arith.constant -1.000000e+00 : f32
    %broadcast_in_dim3A_23 = vector.broadcast %broadcast_in_dim3A : f32 to vector<8x16xf32>
    %broadcast_in_dim3A_24 = arith.constant 0 : i32
    %broadcast_in_dim3A_25 = vector.broadcast %broadcast_in_dim3A_24 : i32 to vector<8x16xi32>
    %min3A = arith.constant 7.400000e-02 : f32
    %min3A_26 = vector.broadcast %min3A : f32 to vector<8x16xf32>
    %min3A_27 = arith.minimumf %sub3A, %min3A_26 : vector<8x16xf32>
    %min3A_28 = arith.constant 6.000000e-02 : f32
    %min3A_29 = vector.broadcast %min3A_28 : f32 to vector<8x16xf32>
    %min3A_30 = arith.minimumf %sub3A_22, %min3A_29 : vector<8x16xf32>
    %mul3A_31 = arith.mulf %min3A_27, %min3A_30 : vector<8x16xf32>
    %add3A = arith.constant 4.440000e-03 : f32
    %add3A_32 = vector.broadcast %add3A : f32 to vector<8x16xf32>
    %add3A_33 = arith.addf %mul3A, %add3A_32 : vector<8x16xf32>
    %sub3A_34 = arith.subf %add3A_33, %mul3A_31 : vector<8x16xf32>
    %div3A = arith.divf %mul3A_31, %sub3A_34 : vector<8x16xf32>
    %gt3A = arith.cmpf ogt, %div3A, %broadcast_in_dim3A_23 : vector<8x16xf32>
    %jit3A = arith.constant 0 : i32
    %broadcast_in_dim3A_35 = vector.broadcast %jit3A : i32 to vector<8x16xi32>
    %select_n3A = arith.select %gt3A, %broadcast_in_dim3A_35, %broadcast_in_dim3A_25 : vector<8x16xi1>, vector<8x16xi32>
    %max3A = arith.maximumf %div3A, %broadcast_in_dim3A_23 : vector<8x16xf32>
    %min3A_36 = arith.constant 1.470000e-01 : f32
    %min3A_37 = vector.broadcast %min3A_36 : f32 to vector<8x16xf32>
    %min3A_38 = arith.minimumf %sub3A, %min3A_37 : vector<8x16xf32>
    %min3A_39 = arith.constant 1.510000e-01 : f32
    %min3A_40 = vector.broadcast %min3A_39 : f32 to vector<8x16xf32>
    %min3A_41 = arith.minimumf %sub3A_22, %min3A_40 : vector<8x16xf32>
    %mul3A_42 = arith.mulf %min3A_38, %min3A_41 : vector<8x16xf32>
    %add3A_43 = arith.constant 2.219700e-02 : f32
    %add3A_44 = vector.broadcast %add3A_43 : f32 to vector<8x16xf32>
    %add3A_45 = arith.addf %mul3A, %add3A_44 : vector<8x16xf32>
    %sub3A_46 = arith.subf %add3A_45, %mul3A_42 : vector<8x16xf32>
    %div3A_47 = arith.divf %mul3A_42, %sub3A_46 : vector<8x16xf32>
    %gt3A_48 = arith.cmpf ogt, %div3A_47, %max3A : vector<8x16xf32>
    %jit3A_49 = arith.constant 1 : i32
    %broadcast_in_dim3A_50 = vector.broadcast %jit3A_49 : i32 to vector<8x16xi32>
    %select_n3A_51 = arith.select %gt3A_48, %broadcast_in_dim3A_50, %select_n3A : vector<8x16xi1>, vector<8x16xi32>
    %max3A_52 = arith.maximumf %div3A_47, %max3A : vector<8x16xf32>
    %min3A_53 = arith.constant 2.820000e-01 : f32
    %min3A_54 = vector.broadcast %min3A_53 : f32 to vector<8x16xf32>
    %min3A_55 = arith.minimumf %sub3A, %min3A_54 : vector<8x16xf32>
    %min3A_56 = arith.constant 2.310000e-01 : f32
    %min3A_57 = vector.broadcast %min3A_56 : f32 to vector<8x16xf32>
    %min3A_58 = arith.minimumf %sub3A_22, %min3A_57 : vector<8x16xf32>
    %mul3A_59 = arith.mulf %min3A_55, %min3A_58 : vector<8x16xf32>
    %add3A_60 = arith.constant 6.514200e-02 : f32
    %add3A_61 = vector.broadcast %add3A_60 : f32 to vector<8x16xf32>
    %add3A_62 = arith.addf %mul3A, %add3A_61 : vector<8x16xf32>
    %sub3A_63 = arith.subf %add3A_62, %mul3A_59 : vector<8x16xf32>
    %div3A_64 = arith.divf %mul3A_59, %sub3A_63 : vector<8x16xf32>
    %gt3A_65 = arith.cmpf ogt, %div3A_64, %max3A_52 : vector<8x16xf32>
    %jit3A_66 = arith.constant 2 : i32
    %broadcast_in_dim3A_67 = vector.broadcast %jit3A_66 : i32 to vector<8x16xi32>
    %select_n3A_68 = arith.select %gt3A_65, %broadcast_in_dim3A_67, %select_n3A_51 : vector<8x16xi1>, vector<8x16xi32>
    %max3A_69 = arith.maximumf %div3A_64, %max3A_52 : vector<8x16xf32>
    %min3A_70 = arith.constant 4.710000e-01 : f32
    %min3A_71 = vector.broadcast %min3A_70 : f32 to vector<8x16xf32>
    %min3A_72 = arith.minimumf %sub3A, %min3A_71 : vector<8x16xf32>
    %min3A_73 = arith.constant 4.250000e-01 : f32
    %min3A_74 = vector.broadcast %min3A_73 : f32 to vector<8x16xf32>
    %min3A_75 = arith.minimumf %sub3A_22, %min3A_74 : vector<8x16xf32>
    %mul3A_76 = arith.mulf %min3A_72, %min3A_75 : vector<8x16xf32>
    %add3A_77 = arith.constant 2.001750e-01 : f32
    %add3A_78 = vector.broadcast %add3A_77 : f32 to vector<8x16xf32>
    %add3A_79 = arith.addf %mul3A, %add3A_78 : vector<8x16xf32>
    %sub3A_80 = arith.subf %add3A_79, %mul3A_76 : vector<8x16xf32>
    %div3A_81 = arith.divf %mul3A_76, %sub3A_80 : vector<8x16xf32>
    %gt3A_82 = arith.cmpf ogt, %div3A_81, %max3A_69 : vector<8x16xf32>
    %jit3A_83 = arith.constant 3 : i32
    %broadcast_in_dim3A_84 = vector.broadcast %jit3A_83 : i32 to vector<8x16xi32>
    %select_n3A_85 = arith.select %gt3A_82, %broadcast_in_dim3A_84, %select_n3A_68 : vector<8x16xi1>, vector<8x16xi32>
    %max3A_86 = arith.maximumf %div3A_81, %max3A_69 : vector<8x16xf32>
    %min3A_87 = arith.constant 0.783999979 : f32
    %min3A_88 = vector.broadcast %min3A_87 : f32 to vector<8x16xf32>
    %min3A_89 = arith.minimumf %sub3A, %min3A_88 : vector<8x16xf32>
    %min3A_90 = arith.constant 7.400000e-01 : f32
    %min3A_91 = vector.broadcast %min3A_90 : f32 to vector<8x16xf32>
    %min3A_92 = arith.minimumf %sub3A_22, %min3A_91 : vector<8x16xf32>
    %mul3A_93 = arith.mulf %min3A_89, %min3A_92 : vector<8x16xf32>
    %add3A_94 = arith.constant 5.801600e-01 : f32
    %add3A_95 = vector.broadcast %add3A_94 : f32 to vector<8x16xf32>
    %add3A_96 = arith.addf %mul3A, %add3A_95 : vector<8x16xf32>
    %sub3A_97 = arith.subf %add3A_96, %mul3A_93 : vector<8x16xf32>
    %div3A_98 = arith.divf %mul3A_93, %sub3A_97 : vector<8x16xf32>
    %gt3A_99 = arith.cmpf ogt, %div3A_98, %max3A_86 : vector<8x16xf32>
    %jit3A_100 = arith.constant 4 : i32
    %broadcast_in_dim3A_101 = vector.broadcast %jit3A_100 : i32 to vector<8x16xi32>
    %select_n3A_102 = arith.select %gt3A_99, %broadcast_in_dim3A_101, %select_n3A_85 : vector<8x16xi1>, vector<8x16xi32>
    %add3A_103 = arith.addf %get3A_3, %get3A_13 : vector<8x16xf32>
    %mul3A_104 = arith.constant 6.500000e+00 : f32
    %mul3A_105 = vector.broadcast %mul3A_104 : f32 to vector<8x16xf32>
    %mul3A_106 = arith.mulf %add3A_103, %mul3A_105 : vector<8x16xf32>
    %add3A_107 = arith.addf %get3A_8, %get3A_18 : vector<8x16xf32>
    %mul3A_108 = arith.constant 6.500000e+00 : f32
    %mul3A_109 = vector.broadcast %mul3A_108 : f32 to vector<8x16xf32>
    %mul3A_110 = arith.mulf %add3A_107, %mul3A_109 : vector<8x16xf32>
    %floor3A = math.floor %mul3A_106 : vector<8x16xf32>
    %floor3A_111 = math.floor %mul3A_110 : vector<8x16xf32>
    %sub3A_112 = arith.subf %mul3A_106, %floor3A : vector<8x16xf32>
    %sub3A_113 = arith.subf %mul3A_110, %floor3A_111 : vector<8x16xf32>
    %convert_element_type3A = arith.fptosi %floor3A_111 : vector<8x16xf32> to vector<8x16xi32>
    %mul3A_114 = arith.constant 13 : i32
    %mul3A_115 = vector.broadcast %mul3A_114 : i32 to vector<8x16xi32>
    %mul3A_116 = arith.muli %convert_element_type3A, %mul3A_115 : vector<8x16xi32>
    %convert_element_type3A_117 = arith.fptosi %floor3A : vector<8x16xf32> to vector<8x16xi32>
    %add3A_118 = arith.addi %mul3A_116, %convert_element_type3A_117 : vector<8x16xi32>
    %broadcast_in_dim3A_119 = arith.constant 0.783999979 : f32
    %broadcast_in_dim3A_120 = vector.broadcast %broadcast_in_dim3A_119 : f32 to vector<8x16xf32>
    %broadcast_in_dim3A_121 = arith.constant 7.400000e-01 : f32
    %broadcast_in_dim3A_122 = vector.broadcast %broadcast_in_dim3A_121 : f32 to vector<8x16xf32>
    %eq3A = arith.constant 3 : i32
    %eq3A_123 = vector.broadcast %eq3A : i32 to vector<8x16xi32>
    %eq3A_124 = arith.cmpi eq, %select_n3A_102, %eq3A_123 : vector<8x16xi32>
    %jit3A_125 = arith.constant 4.710000e-01 : f32
    %broadcast_in_dim3A_126 = vector.broadcast %jit3A_125 : f32 to vector<8x16xf32>
    %select_n3A_127 = arith.select %eq3A_124, %broadcast_in_dim3A_126, %broadcast_in_dim3A_120 : vector<8x16xi1>, vector<8x16xf32>
    %eq3A_128 = arith.constant 3 : i32
    %eq3A_129 = vector.broadcast %eq3A_128 : i32 to vector<8x16xi32>
    %eq3A_130 = arith.cmpi eq, %select_n3A_102, %eq3A_129 : vector<8x16xi32>
    %jit3A_131 = arith.constant 4.250000e-01 : f32
    %broadcast_in_dim3A_132 = vector.broadcast %jit3A_131 : f32 to vector<8x16xf32>
    %select_n3A_133 = arith.select %eq3A_130, %broadcast_in_dim3A_132, %broadcast_in_dim3A_122 : vector<8x16xi1>, vector<8x16xf32>
    %eq3A_134 = arith.constant 2 : i32
    %eq3A_135 = vector.broadcast %eq3A_134 : i32 to vector<8x16xi32>
    %eq3A_136 = arith.cmpi eq, %select_n3A_102, %eq3A_135 : vector<8x16xi32>
    %jit3A_137 = arith.constant 2.820000e-01 : f32
    %broadcast_in_dim3A_138 = vector.broadcast %jit3A_137 : f32 to vector<8x16xf32>
    %select_n3A_139 = arith.select %eq3A_136, %broadcast_in_dim3A_138, %select_n3A_127 : vector<8x16xi1>, vector<8x16xf32>
    %eq3A_140 = arith.constant 2 : i32
    %eq3A_141 = vector.broadcast %eq3A_140 : i32 to vector<8x16xi32>
    %eq3A_142 = arith.cmpi eq, %select_n3A_102, %eq3A_141 : vector<8x16xi32>
    %jit3A_143 = arith.constant 2.310000e-01 : f32
    %broadcast_in_dim3A_144 = vector.broadcast %jit3A_143 : f32 to vector<8x16xf32>
    %select_n3A_145 = arith.select %eq3A_142, %broadcast_in_dim3A_144, %select_n3A_133 : vector<8x16xi1>, vector<8x16xf32>
    %eq3A_146 = arith.constant 1 : i32
    %eq3A_147 = vector.broadcast %eq3A_146 : i32 to vector<8x16xi32>
    %eq3A_148 = arith.cmpi eq, %select_n3A_102, %eq3A_147 : vector<8x16xi32>
    %jit3A_149 = arith.constant 1.470000e-01 : f32
    %broadcast_in_dim3A_150 = vector.broadcast %jit3A_149 : f32 to vector<8x16xf32>
    %select_n3A_151 = arith.select %eq3A_148, %broadcast_in_dim3A_150, %select_n3A_139 : vector<8x16xi1>, vector<8x16xf32>
    %eq3A_152 = arith.constant 1 : i32
    %eq3A_153 = vector.broadcast %eq3A_152 : i32 to vector<8x16xi32>
    %eq3A_154 = arith.cmpi eq, %select_n3A_102, %eq3A_153 : vector<8x16xi32>
    %jit3A_155 = arith.constant 1.510000e-01 : f32
    %broadcast_in_dim3A_156 = vector.broadcast %jit3A_155 : f32 to vector<8x16xf32>
    %select_n3A_157 = arith.select %eq3A_154, %broadcast_in_dim3A_156, %select_n3A_145 : vector<8x16xi1>, vector<8x16xf32>
    %eq3A_158 = arith.constant 0 : i32
    %eq3A_159 = vector.broadcast %eq3A_158 : i32 to vector<8x16xi32>
    %eq3A_160 = arith.cmpi eq, %select_n3A_102, %eq3A_159 : vector<8x16xi32>
    %jit3A_161 = arith.constant 7.400000e-02 : f32
    %broadcast_in_dim3A_162 = vector.broadcast %jit3A_161 : f32 to vector<8x16xf32>
    %select_n3A_163 = arith.select %eq3A_160, %broadcast_in_dim3A_162, %select_n3A_151 : vector<8x16xi1>, vector<8x16xf32>
    %eq3A_164 = arith.constant 0 : i32
    %eq3A_165 = vector.broadcast %eq3A_164 : i32 to vector<8x16xi32>
    %eq3A_166 = arith.cmpi eq, %select_n3A_102, %eq3A_165 : vector<8x16xi32>
    %jit3A_167 = arith.constant 6.000000e-02 : f32
    %broadcast_in_dim3A_168 = vector.broadcast %jit3A_167 : f32 to vector<8x16xf32>
    %select_n3A_169 = arith.select %eq3A_166, %broadcast_in_dim3A_168, %select_n3A_157 : vector<8x16xi1>, vector<8x16xf32>
    %div3A_170 = arith.divf %sub3A, %select_n3A_163 : vector<8x16xf32>
    %log3A = math.log %div3A_170 : vector<8x16xf32>
    %div3A_171 = arith.divf %sub3A_22, %select_n3A_169 : vector<8x16xf32>
    %log3A_172 = math.log %div3A_171 : vector<8x16xf32>
    %sub3A_173 = arith.constant 2.000000e+00 : f32
    %sub3A_174 = vector.broadcast %sub3A_173 : f32 to vector<8x16xf32>
    %sub3A_175 = arith.subf %sub3A_174, %mul3A : vector<8x16xf32>
    %iota3A = tpu.iota {dimensions = array<i32: 0>} : vector<8x8x16xi32>
    %iota3A_176 = tpu.iota {dimensions = array<i32: 1>} : vector<8x8x16xi32>
    %broadcast_in_dim3A_177 = vector.shape_cast %add3A_118 : vector<8x16xi32> to vector<1x8x16xi32>
    %broadcast_in_dim3A_178 = vector.shape_cast %add3A_118 : vector<8x16xi32> to vector<8x1x16xi32>
    %eq3A_179 = vector.broadcast %broadcast_in_dim3A_177 : vector<1x8x16xi32> to vector<8x8x16xi32>
    %eq3A_180 = vector.broadcast %broadcast_in_dim3A_178 : vector<8x1x16xi32> to vector<8x8x16xi32>
    %eq3A_181 = arith.cmpi eq, %eq3A_179, %eq3A_180 : vector<8x8x16xi32>
    %gt3A_182 = arith.cmpi sgt, %iota3A_176, %iota3A : vector<8x8x16xi32>
    %and3A = arith.andi %eq3A_181, %gt3A_182 : vector<8x8x16xi1>
    %reduce_or3A = arith.constant 1.000000e+00 : f32
    %reduce_or3A_183 = arith.constant 0.000000e+00 : f32
    %reduce_or3A_184 = vector.broadcast %reduce_or3A : f32 to vector<8x8x16xf32>
    %reduce_or3A_185 = vector.broadcast %reduce_or3A_183 : f32 to vector<8x8x16xf32>
    %reduce_or3A_186 = arith.select %and3A, %reduce_or3A_184, %reduce_or3A_185 : vector<8x8x16xi1>, vector<8x8x16xf32>
    %reduce_or3A_187 = arith.constant dense<0xFF800000> : vector<8x16xf32>
    %reduce_or3A_188 = vector.multi_reduction <maximumf>, %reduce_or3A_186, %reduce_or3A_187 [1] : vector<8x8x16xf32> to vector<8x16xf32>
    %reduce_or3A_189 = arith.constant 0.000000e+00 : f32
    %reduce_or3A_190 = vector.broadcast %reduce_or3A_189 : f32 to vector<8x16xf32>
    %reduce_or3A_191 = arith.cmpf ogt, %reduce_or3A_188, %reduce_or3A_190 : vector<8x16xf32>
    %jit3A_192 = arith.constant 0.000000e+00 : f32
    %jit3A_193 = arith.constant 1.000000e+00 : f32
    %broadcast_in_dim3A_194 = vector.broadcast %jit3A_192 : f32 to vector<8x16xf32>
    %broadcast_in_dim3A_195 = vector.broadcast %jit3A_193 : f32 to vector<8x16xf32>
    %select_n3A_196 = arith.select %reduce_or3A_191, %broadcast_in_dim3A_194, %broadcast_in_dim3A_195 : vector<8x16xi1>, vector<8x16xf32>
    %get3A_197 = arith.constant 0 : index
    %get3A_198 = arith.constant 0 : index
    %get3A_199 = vector.load %arg3[%get3A_197, %get3A_198] : memref<128x128xf32, #tpu.memory_space<vmem>>, vector<128x128xf32>
    %reshape3A = vector.shape_cast %get3A_199 : vector<128x128xf32> to vector<8x16x128xf32>
    %slice3A = vector.extract_strided_slice %reshape3A {offsets = [0, 0, 0], sizes = [8, 16, 125], strides = [1, 1, 1]} : vector<8x16x128xf32> to vector<8x16x125xf32>
    %get3A_200 = arith.constant 0 : index
    %get3A_201 = arith.constant 0 : index
    %get3A_202 = vector.load %arg0[%get3A_200, %get3A_201] : memref<2704x125xf32, #tpu.memory_space<vmem>>, vector<2704x125xf32>
    %iota3A_203 = tpu.iota {dimensions = array<i32: 1>} : vector<5x125xi32>
    %iota3A_204 = tpu.iota {dimensions = array<i32: 0>} : vector<5x125xi32>
    %eq3A_205 = arith.cmpi eq, %iota3A_203, %iota3A_204 : vector<5x125xi32>
    %convert_element_type3A_206 = arith.extui %eq3A_205 : vector<5x125xi1> to vector<5x125xi32>
    %convert_element_type3A_207 = arith.sitofp %convert_element_type3A_206 : vector<5x125xi32> to vector<5x125xf32>
    %dot_general3A = arith.constant dense<0.000000e+00> : vector<5x2704xf32>
    %dot_general3A_208 = tpu.matmul %convert_element_type3A_207, %get3A_202, %dot_general3A {dimension_numbers = #tpu.dot_dimension_numbers<[1], [1], [0], [0], [0, 0, 1, 0], [], []>, transpose_lhs_hint = false} : vector<5x125xf32>, vector<2704x125xf32>, vector<5x2704xf32> -> vector<5x2704xf32>
    %logistic3A = arith.negf %dot_general3A_208 : vector<5x2704xf32>
    %logistic3A_209 = math.exp %logistic3A : vector<5x2704xf32>
    %logistic3A_210 = arith.constant 1.000000e+00 : f32
    %logistic3A_211 = vector.broadcast %logistic3A_210 : f32 to vector<5x2704xf32>
    %logistic3A_212 = arith.addf %logistic3A_211, %logistic3A_209 : vector<5x2704xf32>
    %logistic3A_213 = arith.divf %logistic3A_211, %logistic3A_212 : vector<5x2704xf32>
    %jit3A_214 = arith.constant 1.000000e-07 : f32
    %jit3A_215 = arith.constant 0.99999988 : f32
    %max3A_216 = vector.broadcast %jit3A_214 : f32 to vector<5x2704xf32>
    %max3A_217 = arith.maximumf %max3A_216, %logistic3A_213 : vector<5x2704xf32>
    %min3A_218 = vector.broadcast %jit3A_215 : f32 to vector<5x2704xf32>
    %min3A_219 = arith.minimumf %min3A_218, %max3A_217 : vector<5x2704xf32>
    %mul3A_220 = arith.constant -5.000000e-01 : f32
    %mul3A_221 = vector.broadcast %mul3A_220 : f32 to vector<5x2704xf32>
    %mul3A_222 = arith.mulf %mul3A_221, %min3A_219 : vector<5x2704xf32>
    %mul3A_223 = arith.mulf %mul3A_222, %min3A_219 : vector<5x2704xf32>
    %sub3A_224 = arith.constant 1.000000e+00 : f32
    %sub3A_225 = vector.broadcast %sub3A_224 : f32 to vector<5x2704xf32>
    %sub3A_226 = arith.subf %sub3A_225, %min3A_219 : vector<5x2704xf32>
    %log3A_227 = math.log %sub3A_226 : vector<5x2704xf32>
    %mul3A_228 = arith.mulf %mul3A_223, %log3A_227 : vector<5x2704xf32>
    %reduce_sum3A = arith.constant dense<0.000000e+00> : vector<2704xf32>
    %reduce_sum3A_229 = vector.multi_reduction <add>, %mul3A_228, %reduce_sum3A [0] : vector<5x2704xf32> to vector<2704xf32>
    %broadcast_in_dim3A_230 = vector.shape_cast %reduce_sum3A_229 : vector<2704xf32> to vector<1x2704xf32>
    %iota3A_231 = tpu.iota {dimensions = array<i32: 1>} : vector<16x2704xi32>
    %iota3A_232 = tpu.iota {dimensions = array<i32: 0>} : vector<16x2704xi32>
    %and3A_233 = arith.constant 15 : i32
    %and3A_234 = vector.broadcast %and3A_233 : i32 to vector<16x2704xi32>
    %and3A_235 = arith.andi %iota3A_231, %and3A_234 : vector<16x2704xi32>
    %eq3A_236 = arith.cmpi eq, %and3A_235, %iota3A_232 : vector<16x2704xi32>
    %convert_element_type3A_237 = arith.extui %eq3A_236 : vector<16x2704xi1> to vector<16x2704xi32>
    %convert_element_type3A_238 = arith.sitofp %convert_element_type3A_237 : vector<16x2704xi32> to vector<16x2704xf32>
    %dot_general3A_239 = arith.constant dense<0.000000e+00> : vector<1x16xf32>
    %dot_general3A_240 = tpu.matmul %broadcast_in_dim3A_230, %convert_element_type3A_238, %dot_general3A_239 {dimension_numbers = #tpu.dot_dimension_numbers<[1], [1], [0], [0], [0, 0, 1, 0], [], []>, transpose_lhs_hint = false} : vector<1x2704xf32>, vector<16x2704xf32>, vector<1x16xf32> -> vector<1x16xf32>
    %iota3A_241 = tpu.iota {dimensions = array<i32: 2>} : vector<8x16x125xi32>
    %convert_element_type3A_242 = arith.sitofp %iota3A_241 : vector<8x16x125xi32> to vector<8x16x125xf32>
    %mul3A_243 = arith.constant 2.000000e-01 : f32
    %mul3A_244 = vector.broadcast %mul3A_243 : f32 to vector<8x16x125xf32>
    %mul3A_245 = arith.mulf %convert_element_type3A_242, %mul3A_244 : vector<8x16x125xf32>
    %floor3A_246 = math.floor %mul3A_245 : vector<8x16x125xf32>
    %convert_element_type3A_247 = arith.fptosi %floor3A_246 : vector<8x16x125xf32> to vector<8x16x125xi32>
    %mul3A_248 = arith.constant 5 : i32
    %mul3A_249 = vector.broadcast %mul3A_248 : i32 to vector<8x16x125xi32>
    %mul3A_250 = arith.muli %convert_element_type3A_247, %mul3A_249 : vector<8x16x125xi32>
    %sub3A_251 = arith.subi %iota3A_241, %mul3A_250 : vector<8x16x125xi32>
    %broadcast_in_dim3A_252 = vector.shape_cast %select_n3A_102 : vector<8x16xi32> to vector<8x16x1xi32>
    %eq3A_253 = vector.broadcast %broadcast_in_dim3A_252 : vector<8x16x1xi32> to vector<8x16x125xi32>
    %eq3A_254 = arith.cmpi eq, %sub3A_251, %eq3A_253 : vector<8x16x125xi32>
    %logistic3A_255 = arith.negf %slice3A : vector<8x16x125xf32>
    %logistic3A_256 = math.exp %logistic3A_255 : vector<8x16x125xf32>
    %logistic3A_257 = arith.constant 1.000000e+00 : f32
    %logistic3A_258 = vector.broadcast %logistic3A_257 : f32 to vector<8x16x125xf32>
    %logistic3A_259 = arith.addf %logistic3A_258, %logistic3A_256 : vector<8x16x125xf32>
    %logistic3A_260 = arith.divf %logistic3A_258, %logistic3A_259 : vector<8x16x125xf32>
    %jit3A_261 = arith.constant 1.000000e-07 : f32
    %jit3A_262 = arith.constant 0.99999988 : f32
    %max3A_263 = vector.broadcast %jit3A_261 : f32 to vector<8x16x125xf32>
    %max3A_264 = arith.maximumf %max3A_263, %logistic3A_260 : vector<8x16x125xf32>
    %min3A_265 = vector.broadcast %jit3A_262 : f32 to vector<8x16x125xf32>
    %min3A_266 = arith.minimumf %min3A_265, %max3A_264 : vector<8x16x125xf32>
    %log3A_267 = math.log %min3A_266 : vector<8x16x125xf32>
    %sub3A_268 = arith.constant 1.000000e+00 : f32
    %sub3A_269 = vector.broadcast %sub3A_268 : f32 to vector<8x16x125xf32>
    %sub3A_270 = arith.subf %sub3A_269, %min3A_266 : vector<8x16x125xf32>
    %log3A_271 = math.log %sub3A_270 : vector<8x16x125xf32>
    %eq3A_272 = arith.constant 0 : i32
    %eq3A_273 = vector.broadcast %eq3A_272 : i32 to vector<8x16x125xi32>
    %eq3A_274 = arith.cmpi eq, %convert_element_type3A_247, %eq3A_273 : vector<8x16x125xi32>
    %mul3A_275 = arith.constant -5.000000e-01 : f32
    %mul3A_276 = vector.broadcast %mul3A_275 : f32 to vector<8x16x125xf32>
    %mul3A_277 = arith.mulf %mul3A_276, %min3A_266 : vector<8x16x125xf32>
    %mul3A_278 = arith.mulf %mul3A_277, %min3A_266 : vector<8x16x125xf32>
    %mul3A_279 = arith.mulf %mul3A_278, %log3A_271 : vector<8x16x125xf32>
    %jit3A_280 = arith.constant 0.000000e+00 : f32
    %broadcast_in_dim3A_281 = vector.broadcast %jit3A_280 : f32 to vector<8x16x125xf32>
    %select_n3A_282 = arith.select %eq3A_274, %mul3A_279, %broadcast_in_dim3A_281 : vector<8x16x125xi1>, vector<8x16x125xf32>
    %reduce_sum3A_283 = arith.constant dense<0.000000e+00> : vector<8x16xf32>
    %reduce_sum3A_284 = vector.multi_reduction <add>, %select_n3A_282, %reduce_sum3A_283 [2] : vector<8x16x125xf32> to vector<8x16xf32>
    %sub3A_285 = arith.constant 1.000000e+00 : f32
    %sub3A_286 = vector.broadcast %sub3A_285 : f32 to vector<8x16x125xf32>
    %sub3A_287 = arith.subf %sub3A_286, %min3A_266 : vector<8x16x125xf32>
    %mul3A_288 = arith.constant -5.000000e-01 : f32
    %mul3A_289 = vector.broadcast %mul3A_288 : f32 to vector<8x16x125xf32>
    %mul3A_290 = arith.mulf %mul3A_289, %sub3A_287 : vector<8x16x125xf32>
    %sub3A_291 = arith.constant 1.000000e+00 : f32
    %sub3A_292 = vector.broadcast %sub3A_291 : f32 to vector<8x16x125xf32>
    %sub3A_293 = arith.subf %sub3A_292, %min3A_266 : vector<8x16x125xf32>
    %mul3A_294 = arith.mulf %mul3A_290, %sub3A_293 : vector<8x16x125xf32>
    %mul3A_295 = arith.mulf %mul3A_294, %log3A_267 : vector<8x16x125xf32>
    %and3A_296 = arith.andi %eq3A_274, %eq3A_254 : vector<8x16x125xi1>
    %jit3A_297 = arith.constant 0.000000e+00 : f32
    %broadcast_in_dim3A_298 = vector.broadcast %jit3A_297 : f32 to vector<8x16x125xf32>
    %select_n3A_299 = arith.select %and3A_296, %mul3A_295, %broadcast_in_dim3A_298 : vector<8x16x125xi1>, vector<8x16x125xf32>
    %reduce_sum3A_300 = arith.constant dense<0.000000e+00> : vector<8x16xf32>
    %reduce_sum3A_301 = vector.multi_reduction <add>, %select_n3A_299, %reduce_sum3A_300 [2] : vector<8x16x125xf32> to vector<8x16xf32>
    %broadcast_in_dim3A_302 = vector.shape_cast %get3A_21 : vector<8x16xi32> to vector<8x16x1xi32>
    %eq3A_303 = vector.broadcast %broadcast_in_dim3A_302 : vector<8x16x1xi32> to vector<8x16x125xi32>
    %eq3A_304 = arith.cmpi eq, %convert_element_type3A_247, %eq3A_303 : vector<8x16x125xi32>
    %convert_element_type3A_305 = arith.extui %eq3A_304 : vector<8x16x125xi1> to vector<8x16x125xi32>
    %convert_element_type3A_306 = arith.sitofp %convert_element_type3A_305 : vector<8x16x125xi32> to vector<8x16x125xf32>
    %mul3A_307 = arith.mulf %convert_element_type3A_306, %log3A_267 : vector<8x16x125xf32>
    %sub3A_308 = arith.constant 1.000000e+00 : f32
    %sub3A_309 = vector.broadcast %sub3A_308 : f32 to vector<8x16x125xf32>
    %sub3A_310 = arith.subf %sub3A_309, %convert_element_type3A_306 : vector<8x16x125xf32>
    %mul3A_311 = arith.mulf %sub3A_310, %log3A_271 : vector<8x16x125xf32>
    %add3A_312 = arith.addf %mul3A_307, %mul3A_311 : vector<8x16x125xf32>
    %neg3A = arith.constant 0.000000e+00 : f32
    %neg3A_313 = vector.broadcast %neg3A : f32 to vector<8x16x125xf32>
    %neg3A_314 = arith.subf %neg3A_313, %add3A_312 : vector<8x16x125xf32>
    %ge3A = arith.constant 1 : i32
    %ge3A_315 = vector.broadcast %ge3A : i32 to vector<8x16x125xi32>
    %ge3A_316 = arith.cmpi sge, %convert_element_type3A_247, %ge3A_315 : vector<8x16x125xi32>
    %le3A = arith.constant 20 : i32
    %le3A_317 = vector.broadcast %le3A : i32 to vector<8x16x125xi32>
    %le3A_318 = arith.cmpi sle, %convert_element_type3A_247, %le3A_317 : vector<8x16x125xi32>
    %and3A_319 = arith.andi %ge3A_316, %le3A_318 : vector<8x16x125xi1>
    %and3A_320 = arith.andi %and3A_319, %eq3A_254 : vector<8x16x125xi1>
    %jit3A_321 = arith.constant 0.000000e+00 : f32
    %broadcast_in_dim3A_322 = vector.broadcast %jit3A_321 : f32 to vector<8x16x125xf32>
    %select_n3A_323 = arith.select %and3A_320, %neg3A_314, %broadcast_in_dim3A_322 : vector<8x16x125xi1>, vector<8x16x125xf32>
    %reduce_sum3A_324 = arith.constant dense<0.000000e+00> : vector<8x16xf32>
    %reduce_sum3A_325 = vector.multi_reduction <add>, %select_n3A_323, %reduce_sum3A_324 [2] : vector<8x16x125xf32> to vector<8x16xf32>
    %eq3A_326 = arith.constant 21 : i32
    %eq3A_327 = vector.broadcast %eq3A_326 : i32 to vector<8x16x125xi32>
    %eq3A_328 = arith.cmpi eq, %convert_element_type3A_247, %eq3A_327 : vector<8x16x125xi32>
    %broadcast_in_dim3A_329 = vector.shape_cast %sub3A_112 : vector<8x16xf32> to vector<8x16x1xf32>
    %broadcast_in_dim3A_330 = vector.shape_cast %sub3A_113 : vector<8x16xf32> to vector<8x16x1xf32>
    %broadcast_in_dim3A_331 = vector.shape_cast %broadcast_in_dim3A_329 : vector<8x16x1xf32> to vector<8x16x1xf32>
    %broadcast_in_dim3A_332 = vector.broadcast %broadcast_in_dim3A_331 : vector<8x16x1xf32> to vector<8x16x125xf32>
    %broadcast_in_dim3A_333 = vector.shape_cast %broadcast_in_dim3A_330 : vector<8x16x1xf32> to vector<8x16x1xf32>
    %broadcast_in_dim3A_334 = vector.broadcast %broadcast_in_dim3A_333 : vector<8x16x1xf32> to vector<8x16x125xf32>
    %select_n3A_335 = arith.select %eq3A_328, %broadcast_in_dim3A_332, %broadcast_in_dim3A_334 : vector<8x16x125xi1>, vector<8x16x125xf32>
    %mul3A_336 = arith.mulf %select_n3A_335, %log3A_267 : vector<8x16x125xf32>
    %sub3A_337 = arith.constant 1.000000e+00 : f32
    %sub3A_338 = vector.broadcast %sub3A_337 : f32 to vector<8x16x125xf32>
    %sub3A_339 = arith.subf %sub3A_338, %select_n3A_335 : vector<8x16x125xf32>
    %mul3A_340 = arith.mulf %sub3A_339, %log3A_271 : vector<8x16x125xf32>
    %add3A_341 = arith.addf %mul3A_336, %mul3A_340 : vector<8x16x125xf32>
    %neg3A_342 = arith.constant 0.000000e+00 : f32
    %neg3A_343 = vector.broadcast %neg3A_342 : f32 to vector<8x16x125xf32>
    %neg3A_344 = arith.subf %neg3A_343, %add3A_341 : vector<8x16x125xf32>
    %eq3A_345 = arith.constant 21 : i32
    %eq3A_346 = vector.broadcast %eq3A_345 : i32 to vector<8x16x125xi32>
    %eq3A_347 = arith.cmpi eq, %convert_element_type3A_247, %eq3A_346 : vector<8x16x125xi32>
    %eq3A_348 = arith.constant 22 : i32
    %eq3A_349 = vector.broadcast %eq3A_348 : i32 to vector<8x16x125xi32>
    %eq3A_350 = arith.cmpi eq, %convert_element_type3A_247, %eq3A_349 : vector<8x16x125xi32>
    %or3A = arith.ori %eq3A_347, %eq3A_350 : vector<8x16x125xi1>
    %and3A_351 = arith.andi %or3A, %eq3A_254 : vector<8x16x125xi1>
    %jit3A_352 = arith.constant 0.000000e+00 : f32
    %broadcast_in_dim3A_353 = vector.broadcast %jit3A_352 : f32 to vector<8x16x125xf32>
    %select_n3A_354 = arith.select %and3A_351, %neg3A_344, %broadcast_in_dim3A_353 : vector<8x16x125xi1>, vector<8x16x125xf32>
    %reduce_sum3A_355 = arith.constant dense<0.000000e+00> : vector<8x16xf32>
    %reduce_sum3A_356 = vector.multi_reduction <add>, %select_n3A_354, %reduce_sum3A_355 [2] : vector<8x16x125xf32> to vector<8x16xf32>
    %eq3A_357 = arith.constant 23 : i32
    %eq3A_358 = vector.broadcast %eq3A_357 : i32 to vector<8x16x125xi32>
    %eq3A_359 = arith.cmpi eq, %convert_element_type3A_247, %eq3A_358 : vector<8x16x125xi32>
    %broadcast_in_dim3A_360 = vector.shape_cast %log3A : vector<8x16xf32> to vector<8x16x1xf32>
    %broadcast_in_dim3A_361 = vector.shape_cast %log3A_172 : vector<8x16xf32> to vector<8x16x1xf32>
    %broadcast_in_dim3A_362 = vector.shape_cast %broadcast_in_dim3A_360 : vector<8x16x1xf32> to vector<8x16x1xf32>
    %broadcast_in_dim3A_363 = vector.broadcast %broadcast_in_dim3A_362 : vector<8x16x1xf32> to vector<8x16x125xf32>
    %broadcast_in_dim3A_364 = vector.shape_cast %broadcast_in_dim3A_361 : vector<8x16x1xf32> to vector<8x16x1xf32>
    %broadcast_in_dim3A_365 = vector.broadcast %broadcast_in_dim3A_364 : vector<8x16x1xf32> to vector<8x16x125xf32>
    %select_n3A_366 = arith.select %eq3A_359, %broadcast_in_dim3A_363, %broadcast_in_dim3A_365 : vector<8x16x125xi1>, vector<8x16x125xf32>
    %sub3A_367 = arith.subf %slice3A, %select_n3A_366 : vector<8x16x125xf32>
    %eq3A_368 = arith.constant 23 : i32
    %eq3A_369 = vector.broadcast %eq3A_368 : i32 to vector<8x16x125xi32>
    %eq3A_370 = arith.cmpi eq, %convert_element_type3A_247, %eq3A_369 : vector<8x16x125xi32>
    %eq3A_371 = arith.constant 24 : i32
    %eq3A_372 = vector.broadcast %eq3A_371 : i32 to vector<8x16x125xi32>
    %eq3A_373 = arith.cmpi eq, %convert_element_type3A_247, %eq3A_372 : vector<8x16x125xi32>
    %or3A_374 = arith.ori %eq3A_370, %eq3A_373 : vector<8x16x125xi1>
    %and3A_375 = arith.andi %or3A_374, %eq3A_254 : vector<8x16x125xi1>
    %mul3A_376 = arith.mulf %sub3A_367, %sub3A_367 : vector<8x16x125xf32>
    %jit3A_377 = arith.constant 0.000000e+00 : f32
    %broadcast_in_dim3A_378 = vector.broadcast %jit3A_377 : f32 to vector<8x16x125xf32>
    %select_n3A_379 = arith.select %and3A_375, %mul3A_376, %broadcast_in_dim3A_378 : vector<8x16x125xi1>, vector<8x16x125xf32>
    %reduce_sum3A_380 = arith.constant dense<0.000000e+00> : vector<8x16xf32>
    %reduce_sum3A_381 = vector.multi_reduction <add>, %select_n3A_379, %reduce_sum3A_380 [2] : vector<8x16x125xf32> to vector<8x16xf32>
    %reduce_sum3A_382 = arith.constant dense<0.000000e+00> : vector<16xf32>
    %reduce_sum3A_383 = vector.multi_reduction <add>, %select_n3A_196, %reduce_sum3A_382 [0] : vector<8x16xf32> to vector<16xf32>
    %broadcast_in_dim3A_384 = vector.shape_cast %reduce_sum3A_383 : vector<16xf32> to vector<1x16xf32>
    %mul3A_385 = arith.mulf %select_n3A_196, %reduce_sum3A_284 : vector<8x16xf32>
    %reduce_sum3A_386 = arith.constant dense<0.000000e+00> : vector<16xf32>
    %reduce_sum3A_387 = vector.multi_reduction <add>, %mul3A_385, %reduce_sum3A_386 [0] : vector<8x16xf32> to vector<16xf32>
    %broadcast_in_dim3A_388 = vector.shape_cast %reduce_sum3A_387 : vector<16xf32> to vector<1x16xf32>
    %mul3A_389 = arith.mulf %select_n3A_196, %reduce_sum3A_301 : vector<8x16xf32>
    %reduce_sum3A_390 = arith.constant dense<0.000000e+00> : vector<16xf32>
    %reduce_sum3A_391 = vector.multi_reduction <add>, %mul3A_389, %reduce_sum3A_390 [0] : vector<8x16xf32> to vector<16xf32>
    %broadcast_in_dim3A_392 = vector.shape_cast %reduce_sum3A_391 : vector<16xf32> to vector<1x16xf32>
    %reduce_sum3A_393 = vector.shape_cast %broadcast_in_dim3A_384 : vector<1x16xf32> to vector<1x1x16xf32>
    %reduce_sum3A_394 = arith.constant dense<0.000000e+00> : vector<1xf32>
    %reduce_sum3A_395 = vector.multi_reduction <add>, %reduce_sum3A_393, %reduce_sum3A_394 [1, 2] : vector<1x1x16xf32> to vector<1xf32>
    %reduce_sum3A_396 = vector.shape_cast %reduce_sum3A_395 : vector<1xf32> to vector<1x1x1xf32>
    %reduce_sum3A_397 = vector.extract %reduce_sum3A_396[0, 0, 0] : f32 from vector<1x1x1xf32>
    %max3A_398 = arith.constant 1.000000e+00 : f32
    %max3A_399 = arith.maximumf %reduce_sum3A_397, %max3A_398 : f32
    %mul3A_400 = arith.constant 5.000000e+00 : f32
    %mul3A_401 = vector.broadcast %mul3A_400 : f32 to vector<1x16xf32>
    %mul3A_402 = arith.mulf %mul3A_401, %broadcast_in_dim3A_384 : vector<1x16xf32>
    %sub3A_403 = arith.constant 8.450000e+02 : f32
    %sub3A_404 = vector.broadcast %sub3A_403 : f32 to vector<1x16xf32>
    %sub3A_405 = arith.subf %sub3A_404, %mul3A_402 : vector<1x16xf32>
    %max3A_406 = arith.constant 9.765625E-4 : f32
    %max3A_407 = vector.broadcast %max3A_406 : f32 to vector<1x16xf32>
    %max3A_408 = arith.maximumf %sub3A_405, %max3A_407 : vector<1x16xf32>
    %max3A_409 = arith.constant 9.765625E-4 : f32
    %max3A_410 = vector.broadcast %max3A_409 : f32 to vector<1x16xf32>
    %max3A_411 = arith.maximumf %broadcast_in_dim3A_384, %max3A_410 : vector<1x16xf32>
    %sub3A_412 = arith.subf %dot_general3A_240, %broadcast_in_dim3A_388 : vector<1x16xf32>
    %div3A_413 = arith.divf %sub3A_412, %max3A_408 : vector<1x16xf32>
    %reduce_sum3A_414 = vector.shape_cast %div3A_413 : vector<1x16xf32> to vector<1x1x16xf32>
    %reduce_sum3A_415 = arith.constant dense<0.000000e+00> : vector<1xf32>
    %reduce_sum3A_416 = vector.multi_reduction <add>, %reduce_sum3A_414, %reduce_sum3A_415 [1, 2] : vector<1x1x16xf32> to vector<1xf32>
    %reduce_sum3A_417 = vector.shape_cast %reduce_sum3A_416 : vector<1xf32> to vector<1x1x1xf32>
    %reduce_sum3A_418 = vector.extract %reduce_sum3A_417[0, 0, 0] : f32 from vector<1x1x1xf32>
    %mul3A_419 = arith.constant 1.875000e-01 : f32
    %mul3A_420 = arith.mulf %reduce_sum3A_418, %mul3A_419 : f32
    %div3A_421 = arith.divf %broadcast_in_dim3A_392, %max3A_411 : vector<1x16xf32>
    %reduce_sum3A_422 = vector.shape_cast %div3A_421 : vector<1x16xf32> to vector<1x1x16xf32>
    %reduce_sum3A_423 = arith.constant dense<0.000000e+00> : vector<1xf32>
    %reduce_sum3A_424 = vector.multi_reduction <add>, %reduce_sum3A_422, %reduce_sum3A_423 [1, 2] : vector<1x1x16xf32> to vector<1xf32>
    %reduce_sum3A_425 = vector.shape_cast %reduce_sum3A_424 : vector<1xf32> to vector<1x1x1xf32>
    %reduce_sum3A_426 = vector.extract %reduce_sum3A_425[0, 0, 0] : f32 from vector<1x1x1xf32>
    %div3A_427 = arith.constant 1.600000e+01 : f32
    %div3A_428 = arith.divf %reduce_sum3A_426, %div3A_427 : f32
    %mul3A_429 = arith.mulf %select_n3A_196, %reduce_sum3A_325 : vector<8x16xf32>
    %reduce_sum3A_430 = vector.shape_cast %mul3A_429 : vector<8x16xf32> to vector<1x8x16xf32>
    %reduce_sum3A_431 = arith.constant dense<0.000000e+00> : vector<1xf32>
    %reduce_sum3A_432 = vector.multi_reduction <add>, %reduce_sum3A_430, %reduce_sum3A_431 [1, 2] : vector<1x8x16xf32> to vector<1xf32>
    %reduce_sum3A_433 = vector.shape_cast %reduce_sum3A_432 : vector<1xf32> to vector<1x1x1xf32>
    %reduce_sum3A_434 = vector.extract %reduce_sum3A_433[0, 0, 0] : f32 from vector<1x1x1xf32>
    %div3A_435 = arith.divf %reduce_sum3A_434, %max3A_399 : f32
    %mul3A_436 = arith.mulf %select_n3A_196, %sub3A_175 : vector<8x16xf32>
    %mul3A_437 = arith.mulf %mul3A_436, %reduce_sum3A_356 : vector<8x16xf32>
    %reduce_sum3A_438 = vector.shape_cast %mul3A_437 : vector<8x16xf32> to vector<1x8x16xf32>
    %reduce_sum3A_439 = arith.constant dense<0.000000e+00> : vector<1xf32>
    %reduce_sum3A_440 = vector.multi_reduction <add>, %reduce_sum3A_438, %reduce_sum3A_439 [1, 2] : vector<1x8x16xf32> to vector<1xf32>
    %reduce_sum3A_441 = vector.shape_cast %reduce_sum3A_440 : vector<1xf32> to vector<1x1x1xf32>
    %reduce_sum3A_442 = vector.extract %reduce_sum3A_441[0, 0, 0] : f32 from vector<1x1x1xf32>
    %div3A_443 = arith.divf %reduce_sum3A_442, %max3A_399 : f32
    %mul3A_444 = arith.mulf %select_n3A_196, %sub3A_175 : vector<8x16xf32>
    %mul3A_445 = arith.mulf %mul3A_444, %reduce_sum3A_381 : vector<8x16xf32>
    %reduce_sum3A_446 = vector.shape_cast %mul3A_445 : vector<8x16xf32> to vector<1x8x16xf32>
    %reduce_sum3A_447 = arith.constant dense<0.000000e+00> : vector<1xf32>
    %reduce_sum3A_448 = vector.multi_reduction <add>, %reduce_sum3A_446, %reduce_sum3A_447 [1, 2] : vector<1x8x16xf32> to vector<1xf32>
    %reduce_sum3A_449 = vector.shape_cast %reduce_sum3A_448 : vector<1xf32> to vector<1x1x1xf32>
    %reduce_sum3A_450 = vector.extract %reduce_sum3A_449[0, 0, 0] : f32 from vector<1x1x1xf32>
    %div3A_451 = arith.divf %reduce_sum3A_450, %max3A_399 : f32
    %add3A_452 = arith.addf %div3A_428, %mul3A_420 : f32
    %add3A_453 = arith.addf %add3A_452, %div3A_435 : f32
    %add3A_454 = arith.addf %add3A_453, %div3A_443 : f32
    %add3A_455 = arith.addf %add3A_454, %div3A_451 : f32
    %broadcast_in_dim3A_456 = vector.broadcast %add3A_455 : f32 to vector<1x1xf32>
    %swap3A = arith.constant 0 : index
    %swap3A_457 = arith.constant 0 : index
    %swap3A_458 = vector.load %arg4[%swap3A, %swap3A_457] : memref<1x1xf32, #tpu.memory_space<vmem>>, vector<1x1xf32>
    tpu.vector_store %arg4[%swap3A, %swap3A_457], %broadcast_in_dim3A_456 {strides = array<i32>} : memref<1x1xf32, #tpu.memory_space<vmem>>, vector<1x1xf32>,
    return
  }
}

</mosaic_0001>

<sc_bundles>
// kernel: kernel.4.cloned.1.call-start
scs
__scs_entry_jumppad:
0x0: {  	(pc) =	sbr.rel $0x88, $3  }
0x1: {  	(tag) =	ssettag $0x0;
	lr =	simm.s32 $0x1  }
0x2: {  	[smem:$0x3F9E] =	sst lr;
	_ =	strace $0xD0000000  }
0x3: {  	_ = 	snop  }
0x4: {  	_ = 	snop  }
0x5: {  	_ = 	snop  }
0x6: {  	_ = 	snop  }
0x7: {  	_ = 	snop  }
__scs_overlays_trampoline_lowered:
0x8: {  	[smem:$0x3FAD] =	sst s0  }
0x9: {  	[smem:$0x3FAE] =	sst s1  }
0xa: {  	[smem:$0x3FAF] =	sst s2  }
0xb: {  	[smem:$0x3FB0] =	sst s3  }
0xc: {  	[smem:$0x3FB1] =	sst s4  }
0xd: {  	[smem:$0x3FB2] =	sst s5  }
0xe: {  	[smem:$0x3FB3] =	sst s6  }
0xf: {  	[smem:$0x3FB4] =	sst s7  }
0x10: {  	[smem:$0x3FB5] =	sst s8  }
0x11: {  	[smem:$0x3FB6] =	sst s9;
	s0 =	simm.s32 @!p0 $0x0  }
0x12: {  	s1 =	sld [smem:$0x3F9C];
	s0 =	simm.s32 @p0 $0x1  }
0x13: {  	[smem:$0x3FB7] =	sst s0;
	s0 =	simm.s32 @!p1 $0x0  }
0x14: {  	s2 =	sld [smem:$0x3F9B];
	s0 =	simm.s32 @p1 $0x1  }
0x15: {  	[smem:$0x3FB8] =	sst s0;
	s0 =	simm.s32 @!p2 $0x0  }
0x16: {  	s3 =	sld [smem:$0x3FDB];
	s0 =	simm.s32 @p2 $0x1  }
0x17: {  	s4 =	simm.s32 $0x1BF5;
	[smem:$0x3FBA] =	sst s0  }
0x18: {  	s0 =	sld [smem:$0x3F9D];
	_ =	swait.ge [sflag:s4], $0x0  }
0x19: {  	s7 =	sld [smem:$0x3F9E]  }
0x1a: {  	s8 =	sadd.s32 $0xFFFFE003, lr  }
0x1b: {  	s9 =	sadd.s32 $0xFFFFFEF7, lr;
	s5 =	simm.s32 $0xFFFFFFFF;
	p2 =	slt.u32 s8, $0xFFFFF086  }
0x1c: {  	p1 =	slt.u32 s9, $0xF7A;
	s5 =	simm.s32 @!p2 $0x0  }
0x1d: {  	s5 =	simm.s32 @p1 $0x1;
	p0 =	seq.s32 s7, s2  }
0x1e: {  	s7 =	smul.u32 @!p0 $0xF7A, s2;
	p2 =	seq.s32 @!p0 s5, $0x0  }
0x1f: {  	s9 =	smul.u32 $0xF7A, s1;
	s8 =	simm.s32 @!p0 $0x1BF5;
	p2 =	por !p2, p0  }
0x20: {  	[sflag:s8] =	ssyncset.s32 @!p0 $0xFFFFF086;
	s6 =	sadd.s32 @!p0 s3, s7;
	s7 =	simm.s32 @!p0 $0x108  }
0x21: {  	s3 =	sadd.s32 s3, s9;
	s6 =	sadd.s32 @!p0 $0x88, s6;
	s7 =	simm.s32 @p2 $0x1082  }
0x22: {  	[simem:s7], [sflag:s8] =	dma.local @!p0 [hbm:s6], $0xF7A  }
0x23: {  	s9 =	sor.u32 $0xD0000000, s2;
	s6 =	simm.s32 $0x108;
	_ =	swait.ge @!p0 [sflag:s8], $0x0  }
0x24: {  	s3 =	sadd.s32 $0x88, s3;
	s6 =	simm.s32 @!p1 $0x1082;
	[sflag:s4] =	ssyncset.s32 $0xFFFFF086  }
0x25: {  	[simem:s6], [sflag:s4] =	dma.local [hbm:s3], $0xF7A  }
0x26: {  	[smem:$0x3F9E] =	sst s1;
	(tag) =	ssettag s2;
	_ =	strace s9  }
0x27: {  	s1 =	sld [smem:$0x3FAE]  }
0x28: {  	s2 =	sld [smem:$0x3FAF]  }
0x29: {  	s4 =	sld [smem:$0x3FB1]  }
0x2a: {  	p0 =	seq.s32 s5, $0x0;
	s5 =	sld [smem:$0x3FB2]  }
0x2b: {  	s6 =	sld [smem:$0x3FB3]  }
0x2c: {  	s7 =	sld [smem:$0x3FB4]  }
0x2d: {  	s3 =	simm.s32 $0x108;
	s8 =	sld [smem:$0x3FB5]  }
0x2e: {  	s3 =	simm.s32 @!p0 $0x1082;
	s9 =	sld [smem:$0x3FB6]  }
0x2f: {  	lr =	sadd.s32 s0, s3;
	s0 =	sld [smem:$0x3FAD]  }
0x30: {  	s3 =	sld [smem:$0x3FB0]  }
0x31: {  	[smem:$0x3FB9] =	sst s10  }
0x32: {  	s10 =	sld [smem:$0x3FB7];
	_ =	sdelay $0x3  }
0x33: {  	p0 =	seq.s32 s10, $0x1;
	s10 =	sld [smem:$0x3FB9];
	_ =	sdelay $0x3  }
0x34: {  	[smem:$0x3FB9] =	sst s10  }
0x35: {  	s10 =	sld [smem:$0x3FB8];
	_ =	sdelay $0x3  }
0x36: {  	p1 =	seq.s32 s10, $0x1;
	s10 =	sld [smem:$0x3FB9];
	_ =	sdelay $0x3  }
0x37: {  	[smem:$0x3FB9] =	sst s10  }
0x38: {  	s10 =	sld [smem:$0x3FBA]  }
0x39: {  	_ = 	snop;
	(pc) =	sbr.ind lr, $3  }
0x3a: {  	_ = 	snop  }
0x3b: {  	_ = 	snop  }
0x3c: {  	p2 =	seq.s32 s10, $0x1;
	s10 =	sld [smem:$0x3FB9]  }
0x3d: {  	_ =	shalt  }
0x3e: {  	_ =	shalt  }
0x3f: {  	_ =	shalt  }
0x40: {  	_ =	shalt  }
0x41: {  	_ =	shalt  }
0x42: {  	_ =	shalt  }
0x43: {  	_ =	shalt  }
0x44: {  	_ =	shalt  }
0x45: {  	_ =	shalt  }
0x46: {  	_ =	shalt  }
0x47: {  	_ =	shalt  }
0x48: {  	_ =	shalt  }
0x49: {  	_ =	shalt  }
0x4a: {  	_ =	shalt  }
0x4b: {  	_ =	shalt  }
0x4c: {  	_ =	shalt  }
0x4d: {  	_ =	shalt  }
0x4e: {  	_ =	shalt  }
0x4f: {  	_ =	shalt  }
0x50: {  	_ =	shalt  }
0x51: {  	_ =	shalt  }
0x52: {  	_ =	shalt  }
0x53: {  	_ =	shalt  }
0x54: {  	_ =	shalt  }
0x55: {  	_ =	shalt  }
0x56: {  	_ =	shalt  }
0x57: {  	_ =	shalt  }
0x58: {  	_ =	shalt  }
0x59: {  	_ =	shalt  }
0x5a: {  	_ =	shalt  }
0x5b: {  	_ =	shalt  }
0x5c: {  	_ =	shalt  }
0x5d: {  	_ =	shalt  }
0x5e: {  	_ =	shalt  }
0x5f: {  	_ =	shalt  }
0x60: {  	_ =	shalt  }
0x61: {  	_ =	shalt  }
0x62: {  	_ =	shalt  }
0x63: {  	_ =	shalt  }
0x64: {  	_ =	shalt  }
0x65: {  	_ =	shalt  }
0x66: {  	_ =	shalt  }
0x67: {  	_ =	shalt  }
0x68: {  	_ =	shalt  }
0x69: {  	_ =	shalt  }
0x6a: {  	_ =	shalt  }
0x6b: {  	_ =	shalt  }
0x6c: {  	_ =	shalt  }
0x6d: {  	_ =	shalt  }
0x6e: {  	_ =	shalt  }
0x6f: {  	_ =	shalt  }
0x70: {  	_ =	shalt  }
0x71: {  	_ =	shalt  }
0x72: {  	_ =	shalt  }
0x73: {  	_ =	shalt  }
0x74: {  	_ =	shalt  }
0x75: {  	_ =	shalt  }
0x76: {  	_ =	shalt  }
0x77: {  	_ =	shalt  }
0x78: {  	_ =	shalt  }
0x79: {  	_ =	shalt  }
0x7a: {  	_ =	shalt  }
0x7b: {  	_ =	shalt  }
0x7c: {  	_ =	shalt  }
0x7d: {  	_ =	shalt  }
0x7e: {  	_ =	shalt  }
0x7f: {  	_ =	shalt  }
0x80: {  	_ =	shalt  }
0x81: {  	_ =	shalt  }
0x82: {  	_ =	shalt  }
0x83: {  	_ =	shalt  }
0x84: {  	_ =	shalt  }
0x85: {  	_ =	shalt  }
0x86: {  	_ =	shalt  }
0x87: {  	_ =	shalt  }
.Lfunc_end0:
.L_simem_size_0:
called_computation_lowered:
.L_overlay_start_0:
0x88: {  	s2 =	sld [smem:$0x3FD9]  }
0x89: {  	s3 =	sld [smem:$0x3FFE];
	_ =	sdelay $0x1  }
0x8a: {  	s1 =	srdreg.scid  }
0x8b: {  	s0 =	sand.u32 $0x1, s1  }
0x8c: {  	s17 =	sshll.u32 s0, $0xA;
	s2 =	sadd.s32 s3, s2  }
0x8d: {  	s2 =	sadd.s32 s2, s17  }
0x8e: {  	[smem:$0x3FC5] =	sst s2  }
0x8f: {  	_ = 	snop  }
0x90: {  	s2 =	sld [smem:$0x3FC8];
	(tm) =	ssettm $0x1  }
0x91: {  	s18 =	sld [smem:$0x3FFB];
	_ =	sdelay $0x3  }
0x92: {  	_ =	strace s18  }
0x93: {  	s3 =	sld [smem:$0x3FFC];
	_ =	sdelay $0x3  }
0x94: {  	_ =	strace s3  }
0x95: {  	s3 =	sld [smem:$0x3FFD];
	_ =	sdelay $0x3  }
0x96: {  	_ =	strace s3  }
0x97: {  	_ =	strace $0x8FFFFFFF  }
0x98: {  	s19 =	sld [smem:$0x3FDB];
	_ =	sdelay $0x1  }
0x99: {  	s4 =	simm.s32 $_scs_section_size  }
0x9a: {  	s5 =	simm.s32 $_size__tile_overlayer_lowered;
	s6 =	simm.s32 $_tile_overlayer_lowered  }
0x9b: {  	s22 =	simm.s32 $0x1BFF;
	s21 =	sshll.u32 s6, $0x1;
	s3 =	sadd.s32 s4, s19  }
0x9c: {  	s7 =	simm.s32 $0x0;
	s20 =	sshll.u32 s5, $0x1;
	s5 =	sadd.s32 s21, s3  }
0x9d: {  	[timem:s7], [sflag:s22] =	dma.local [hbm:s5], s20  }
0x9e: {  	_ =	swait.ge [sflag:s22], s20  }
0x9f: {  	s4 =	ssub.s32 $0x0, s20;
	[sflag:s22] =	ssyncset.done $0x0  }
0xa0: {  	[sflag:s22] =	ssyncadd.s32 s4;
	_ =	sdelay $0x1  }
0xa1: {  	s23 =	simm.s32 $0x1B8B  }
0xa2: {  	_ =	swait.ge [sflag:s23], $0x1  }
0xa3: {  	[sflag:s23] =	ssyncset.done $0x0  }
0xa4: {  	s25 =	simm.s32 $0x1B8E;
	s24 =	sld [smem:$0x3FFE];
	[sflag:s23] =	ssyncadd.s32 $0xFFFFFFFF  }
0xa5: {  	s26 =	simm.s32 $execute0_lowered;
	[smem:$0x3FD2] =	sst s25  }
0xa6: {  	s5 =	sshll.u32 s26, $0x1;
	_ =	strace $0x80000046;
	[dreg:$0x1] =	wrdreg $0xFFFFFFFF  }
0xa7: {  	s28 =	simm.s32 $_size_execute0_lowered;
	s3 =	sadd.s32 s3, s5;
	[dreg:$0x0] =	wrdreg $0x0  }
0xa8: {  	s5 =	sshll.u32 s28, $0x1;
	[dreg:$0x2] =	wrdreg s3  }
0xa9: {  	[dreg:$0x3] =	wrdreg s5  }
0xaa: {  	[dreg:$0x4] =	wrdreg $0xC0  }
0xab: {  	_ =	task [dreg:s7], $0x5FFFF  }
0xac: {  	[dreg:$0x1] =	wrdreg $0xFFFFFFFF  }
0xad: {  	[dreg:$0x0] =	wrdreg $0x60  }
0xae: {  	[dreg:$0x2] =	wrdreg s24  }
0xaf: {  	[dreg:$0x3] =	wrdreg s2  }
0xb0: {  	[dreg:$0x4] =	wrdreg $0x9  }
0xb1: {  	_ =	task.clear_ibuf [dreg:s7], $0x5FFFF;
	_ =	strace $0x90000046  }
0xb2: {  	s29 =	simm.s32 $0x9;
	_ =	strace $0x80000048  }
0xb3: {  	_ =	swait.ge [sflag:s29], $0x1  }
0xb4: {  	[sflag:s29] =	ssyncadd.s32 $0xFFFFFFFF  }
0xb5: {  	_ =	strace $0x90000048  }
0xb6: {  	_ =	sfence  }
0xb7: {  	s30 =	sld [smem:$0x0];
	_ =	sdelay $0x2  }
0xb8: {  	s31 =	sshll.u32 s1, $0xD;
	s1 =	sshrl.u32 s1, $0x2  }
0xb9: {  	s3 =	sand.u32 $0x4000, s31;
	s1 =	sadd.s32 s1, s30  }
0xba: {  	s0 =	sor.u32 s3, s0;
	s1 =	sshll.u32 s1, $0x11  }
0xbb: {  	s0 =	sor.u32 s1, s0  }
0xbc: {  	s0 =	sadd.s32 $0x8F2B, s0  }
0xbd: {  	[sflag:s0] =	ssyncadd.remote.s32 $0x1  }
0xbe: {  	_ =	sfence.sel $0xFFFF  }
0xbf: {  	[dreg:$0x0] =	wrdreg $0xFFFFFFFF;
	(pc) =	sbr.abs _section_cstart, $3  }
0xc0: {  	[dreg:$0x1] =	wrdreg $0xFFFFFFFF  }
0xc1: {  	_ =	task.clear_ibuf [dreg:s7], $0x2FFFF;
	_ =	strace $0x9FFFFFFF  }
0xc2: {  	(tm) =	ssettm $0x7FFFFFFF  }
0xc3: {  	_ =	shalt  }
tec
execute0_lowered:
.L_overlay_start_1:
0x0: {  	(tag) =	ssettag $0x1  }
0x1: {  	s0 =	srdreg.scid  }
0x2: {  	s5 =	sand.u32 $0x1, s0;
	s0 =	stileid.u32  }
0x3: {  	s2 =	sshll.u32 s5, $0x4;
	s3 =	ssub.s32 $0x0, s0  }
0x4: {  	p0 =	sne.s32 s2, s3  }
.Ltmp0:
0x5: {  	_ = 	snop;
	(pc) =	sbr.rel @p0 .LBB2_4-.Ltmp0, $4  }
0x6: {  	_ = 	snop  }
0x7: {  	s4 =	rddreg [dreg:$0x0]  }
0x8: {  	s10 =	rddreg [dreg:$0x1]  }
0x9: {  	s1 =	rddreg [dreg:$0x2];
	_ =	strace $0x80000047  }
0xa: {  	s3 =	simm.s32 $0x0;
	s2 =	simm.s32 $0x2  }
0xb: {  	[tilespmem:s3], [sflag:$0x2] =	stream.linear.gather [hbm4b:s10+s3], $0x1000, $0x38;
	[tilespmem:$0x5080] =	vst v63  }
0xc: {  	_ =	swait.ge [sflag:s2], $0x1000  }
0xd: {  	[sflag:s2] =	ssyncset.done $0x0  }
0xe: {  	[sflag:s2] =	ssyncadd.s32 $0xFFFFF000  }
0xf: {  	v2 =	vld [tilespmem:$0x100]  }
0x10: {  	v3 =	vld [tilespmem:$0x700]  }
0x11: {  	v5 =	vld [tilespmem:$0x600]  }
0x12: {  	v6 =	vld [tilespmem:$0xD80]  }
0x13: {  	v10 =	vld [tilespmem:$0x400]  }
0x14: {  	v13 =	vld [tilespmem:$0x500]  }
0x15: {  	v0 =	vld [tilespmem:$0xE00]  }
0x16: {  	v4 =	vld [tilespmem:$0x900]  }
0x17: {  	v11 =	vld [tilespmem:$0xF00]  }
0x18: {  	v14 =	vld [tilespmem:$0x200]  }
0x19: {  	v8 =	vld [tilespmem:$0x800]  }
0x1a: {  	v15 =	vld [tilespmem:$0x780]  }
0x1b: {  	v16 =	vld [tilespmem:$0x300]  }
0x1c: {  	v12 =	vld [tilespmem:$0x880]  }
0x1d: {  	s5 =	ssub.s32 $0x2, s5;
	v17 =	vld [tilespmem:$0x980]  }
0x1e: {  	s6 =	sshrl.u32 s5, $0x1;
	v7 =	vld [tilespmem:$0x580]  }
0x1f: {  	s6 =	ssub.s32 s5, s6;
	v9 =	vld [tilespmem:$0x380]  }
0x20: {  	s11 =	smax.u32 s6, $0x1;
	v1 =	vld [tilespmem:$0x80]  }
0x21: {  	p0 =	sne.s32 s11, $0x1;
	v18 =	vld [tilespmem:$0x680]  }
.Ltmp1:
0x22: {  	v19 =	vadd.f32 v4, v8;
	v8 =	vld [tilespmem:$0x480];
	v17 =	vadd.f32 v17, v12;
	(pc) =	sbr.rel @!p0 .LBB2_3-.Ltmp1, $4  }
0x23: {  	v12 =	vld [tilespmem:$0x280]  }
0x24: {  	s7 =	simm.s32 $0x1000;
	v11 =	vadd.f32 v11, v0;
	v4 =	vld [tilespmem:$0x180];
	v19 =	vmul.f32 $6.500000000e+00, v19;
	v20 =	vmul.f32 $6.500000000e+00, v17  }
0x25: {  	s8 =	simm.s32 $0x1080;
	s9 =	simm.s32 $0x1;
	s5 =	sadd.s32 $0xC00, s4;
	v0 =	vlaneseq.u32;
	v10 =	vadd.f32 v13, v10;
	v16 =	vadd.f32 v16, v14;
	v13 =	vld [tilespmem:$0xC80]  }
0x26: {  	s4 =	sadd.s32 $0xB600, s4;
	s6 =	simm.s32 $0x80;
	s11 =	sadd.s32 $0xFFFFFFFF, s11;
	v14 =	vld [tilespmem:$0x0];
	v17 =	vadd.f32 v15, v18;
	v15 =	vtrunc.f32 v19;
	v18 =	vtrunc.f32 v20  }
.LBB2_2:
0x27: {  	p0 =	sne.s32 s11, $0x1;
	s11 =	sadd.s32 $0xFFFFFFFF, s11;
	v16 =	vmul.f32 $6.500000000e+00, v16;
	v18 =	vcvt.f32.s32 v18;
	v19 =	vld [tilespmem:$0xA00]  }
0x28: {  	v9 =	vadd.f32 v9, v12;
	v12 =	vmul.f32 $6.500000000e+00, v17;
	v17 =	vld [tilespmem:$0xA80]  }
0x29: {  	v3 =	vadd.f32 v3, v5;
	v11 =	vmul.f32 $6.500000000e+00, v11;
	v5 =	vmul.u32 $0xD, v18;
	v18 =	vld [tilespmem:$0xB80]  }
0x2a: {  	v15 =	vcvt.f32.s32 v15;
	v9 =	vmul.f32 $6.500000000e+00, v9;
	v6 =	vadd.f32 v6, v13;
	v13 =	vld [tilespmem:$0xF80]  }
0x2b: {  	v7 =	vadd.f32 v7, v8;
	v11 =	vtrunc.f32 v11;
	v2 =	vadd.f32 v2, v14;
	v8 =	vld [tilespmem:$0xE80]  }
0x2c: {  	v10 =	vmul.f32 $6.500000000e+00, v10;
	v5 =	vadd.s32 v15, v5;
	v14 =	vld [tilespmem:$0xC00];
	v6 =	vmul.f32 $6.500000000e+00, v6  }
0x2d: {  	v7 =	vmul.f32 $6.500000000e+00, v7;
	v9 =	vtrunc.f32 v9;
	v5 =	vshll.u32 v5, $0x4;
	v15 =	vld [tilespmem:$0xB00]  }
0x2e: {  	v11 =	vcvt.f32.s32 v11;
	v2 =	vmul.f32 $6.500000000e+00, v2;
	v17 =	vadd.f32 v18, v17;
	v18 =	vld [tilespmem:$0xD00]  }
0x2f: {  	v10 =	vtrunc.f32 v10;
	v7 =	vtrunc.f32 v7;
	v5 =	vor.u32 v0, v5  }
0x30: {  	v16 =	vtrunc.f32 v16;
	[tilespmem:$0x1040] =	vst v5;
	v5 =	vtrunc.f32 v6;
	v6 =	vadd.f32 v13, v8  }
0x31: {  	v1 =	vadd.f32 v4, v1;
	v2 =	vtrunc.f32 v2;
	v4 =	vmul.f32 $6.500000000e+00, v17  }
0x32: {  	v8 =	vcvt.f32.s32 v10;
	v10 =	vadd.f32 v15, v19;
	v6 =	vmul.f32 $6.500000000e+00, v6  }
0x33: {  	v3 =	vmul.f32 $6.500000000e+00, v3;
	v12 =	vtrunc.f32 v12;
	v13 =	vadd.f32 v18, v14  }
0x34: {  	v12 =	vcvt.f32.s32 v12;
	v10 =	vmul.f32 $6.500000000e+00, v10  }
0x35: {  	v3 =	vtrunc.f32 v3;
	v13 =	vmul.f32 $6.500000000e+00, v13  }
0x36: {  	v7 =	vcvt.f32.s32 v7;
	v4 =	vtrunc.f32 v4  }
0x37: {  	v3 =	vcvt.f32.s32 v3;
	v9 =	vcvt.f32.s32 v9;
	v12 =	vmul.u32 $0xD, v12  }
0x38: {  	v4 =	vcvt.f32.s32 v4;
	v13 =	vtrunc.f32 v13  }
0x39: {  	v3 =	vadd.s32 v3, v12;
	v5 =	vcvt.f32.s32 v5;
	v14 =	vcvt.f32.s32 v16  }
0x3a: {  	v3 =	vshll.u32 v3, $0x4;
	v4 =	vmul.u32 $0xD, v4;
	v10 =	vtrunc.f32 v10  }
0x3b: {  	v1 =	vmul.f32 $6.500000000e+00, v1;
	v3 =	vor.u32 v0, v3;
	v6 =	vtrunc.f32 v6  }
0x3c: {  	v9 =	vmul.u32 $0xD, v9;
	v2 =	vcvt.f32.s32 v2;
	[tilespmem:$0x1030] =	vst v3;
	v3 =	vcvt.f32.s32 v10  }
0x3d: {  	v1 =	vtrunc.f32 v1;
	v6 =	vcvt.f32.s32 v6  }
0x3e: {  	v7 =	vmul.u32 $0xD, v7;
	v3 =	vadd.s32 v3, v4;
	v4 =	vcvt.f32.s32 v13  }
0x3f: {  	v1 =	vcvt.f32.s32 v1;
	v5 =	vmul.u32 $0xD, v5;
	v6 =	vmul.u32 $0xD, v6  }
0x40: {  	v7 =	vadd.s32 v8, v7;
	v9 =	vadd.s32 v14, v9;
	v3 =	vshll.u32 v3, $0x4  }
0x41: {  	v1 =	vmul.u32 $0xD, v1;
	v4 =	vadd.s32 v4, v5;
	v5 =	vadd.s32 v11, v6  }
0x42: {  	v3 =	vor.u32 v0, v3;
	v4 =	vshll.u32 v4, $0x4;
	v5 =	vshll.u32 v5, $0x4  }
0x43: {  	v1 =	vadd.s32 v2, v1;
	v2 =	vor.u32 v0, v4;
	[tilespmem:$0x1050] =	vst v3;
	v3 =	vor.u32 v0, v5  }
0x44: {  	v1 =	vshll.u32 v1, $0x4;
	v4 =	vshll.u32 v9, $0x4;
	v5 =	vshll.u32 v7, $0x4;
	[tilespmem:$0x1070] =	vst v3  }
0x45: {  	v1 =	vor.u32 v0, v1;
	v3 =	vor.u32 v0, v4;
	v4 =	vor.u32 v0, v5;
	[tilespmem:$0x1060] =	vst v2  }
0x46: {  	[tilespmem:$0x1010] =	vst v3  }
0x47: {  	[tilespmem:$0x1000] =	vst v1  }
0x48: {  	[tilespmem:$0x1020] =	vst v4  }
0x49: {  	[tilespmem:s8], [sflag:$0x1] =	stream.indirect.gather [hbm4b:s5+s6], $0x80, s7, s6, $0xb8;
	[tilespmem:$0x5080] =	vst v63  }
0x4a: {  	_ =	swait.ge [sflag:s9], $0x4000  }
0x4b: {  	[sflag:s9] =	ssyncset.done $0x0  }
0x4c: {  	[sflag:s9] =	ssyncadd.s32 $0xFFFFC000  }
0x4d: {  	[hbm4b:s4+s3] =	stream.linear.scatter [tilespmem:s8], [sflag:$0x2], $0x4000, $0x38;
	[tilespmem:$0x5080] =	vst v63  }
0x4e: {  	_ =	swait.ge [sflag:s2], $0x4000  }
0x4f: {  	[sflag:s2] =	ssyncset.done $0x0  }
0x50: {  	[sflag:s2] =	ssyncadd.s32 $0xFFFFC000  }
0x51: {  	[tilespmem:s3], [sflag:$0x2] =	stream.linear.gather [hbm4b:s10+s3], $0x1000, $0x38;
	[tilespmem:$0x5080] =	vst v63  }
0x52: {  	_ =	swait.ge [sflag:s2], $0x1000  }
0x53: {  	[sflag:s2] =	ssyncset.done $0x0  }
0x54: {  	[sflag:s2] =	ssyncadd.s32 $0xFFFFF000  }
0x55: {  	v2 =	vld [tilespmem:$0x100]  }
0x56: {  	v3 =	vld [tilespmem:$0x700]  }
0x57: {  	v5 =	vld [tilespmem:$0x600]  }
0x58: {  	v6 =	vld [tilespmem:$0xD80]  }
0x59: {  	v4 =	vld [tilespmem:$0x400]  }
0x5a: {  	v10 =	vld [tilespmem:$0x500]  }
0x5b: {  	v11 =	vld [tilespmem:$0xE00]  }
0x5c: {  	v8 =	vld [tilespmem:$0x900]  }
0x5d: {  	v12 =	vld [tilespmem:$0xF00]  }
0x5e: {  	v13 =	vld [tilespmem:$0x200]  }
0x5f: {  	v14 =	vld [tilespmem:$0x800]  }
0x60: {  	v15 =	vld [tilespmem:$0x780]  }
0x61: {  	v16 =	vld [tilespmem:$0x300]  }
0x62: {  	v17 =	vld [tilespmem:$0x880]  }
0x63: {  	v18 =	vld [tilespmem:$0x980]  }
0x64: {  	v7 =	vld [tilespmem:$0x580]  }
0x65: {  	v9 =	vld [tilespmem:$0x380]  }
0x66: {  	v1 =	vld [tilespmem:$0x80]  }
0x67: {  	v14 =	vadd.f32 v8, v14;
	v19 =	vld [tilespmem:$0x680]  }
.Ltmp2:
0x68: {  	v11 =	vadd.f32 v12, v11;
	v8 =	vld [tilespmem:$0x480];
	v17 =	vadd.f32 v18, v17;
	(pc) =	sbr.rel @p0 .LBB2_2-.Ltmp2, $4  }
0x69: {  	v10 =	vadd.f32 v10, v4;
	v12 =	vld [tilespmem:$0x280]  }
0x6a: {  	v18 =	vmul.f32 $6.500000000e+00, v14;
	v4 =	vld [tilespmem:$0x180];
	v20 =	vmul.f32 $6.500000000e+00, v17  }
0x6b: {  	v16 =	vadd.f32 v16, v13;
	v13 =	vld [tilespmem:$0xC80]  }
0x6c: {  	v14 =	vld [tilespmem:$0x0];
	v17 =	vadd.f32 v15, v19;
	v15 =	vtrunc.f32 v18;
	v18 =	vtrunc.f32 v20  }
.LBB2_3:
0x6d: {  	v16 =	vmul.f32 $6.500000000e+00, v16  }
0x6e: {  	v19 =	vld [tilespmem:$0xA00];
	v41 =	vcvt.f32.s32 v18;
	v11 =	vmul.f32 $6.500000000e+00, v11  }
0x6f: {  	v42 =	vld [tilespmem:$0xA80];
	v15 =	vcvt.f32.s32 v15;
	v7 =	vadd.f32 v7, v8;
	v10 =	vmul.f32 $6.500000000e+00, v10  }
0x70: {  	v20 =	vld [tilespmem:$0xB80];
	v3 =	vadd.f32 v3, v5;
	v17 =	vmul.f32 $6.500000000e+00, v17;
	v11 =	vtrunc.f32 v11  }
0x71: {  	v43 =	vld [tilespmem:$0xF80];
	v9 =	vadd.f32 v9, v12;
	v46 =	vmul.f32 $6.500000000e+00, v7;
	v10 =	vtrunc.f32 v10  }
0x72: {  	v44 =	vld [tilespmem:$0xE80];
	v16 =	vtrunc.f32 v16;
	v3 =	vmul.f32 $6.500000000e+00, v3  }
0x73: {  	v45 =	vld [tilespmem:$0xC00];
	v12 =	vmul.u32 $0xD, v41;
	v9 =	vmul.f32 $6.500000000e+00, v9;
	v11 =	vcvt.f32.s32 v11  }
0x74: {  	v47 =	vld [tilespmem:$0xB00];
	v1 =	vadd.f32 v4, v1;
	v10 =	vcvt.f32.s32 v10;
	v49 =	vtrunc.f32 v17  }
0x75: {  	v21 =	vld [tilespmem:$0xD00];
	v6 =	vadd.f32 v6, v13;
	v53 =	vcvt.f32.s32 v16;
	v5 =	vtrunc.f32 v46  }
0x76: {  	v12 =	vadd.s32 v15, v12;
	v15 =	vcvt.f32.s32 v49;
	v3 =	vtrunc.f32 v3  }
0x77: {  	v2 =	vadd.f32 v2, v14;
	v1 =	vmul.f32 $6.500000000e+00, v1;
	v6 =	vmul.f32 $6.500000000e+00, v6  }
0x78: {  	v9 =	vtrunc.f32 v9;
	v18 =	vadd.f32 v20, v42;
	v8 =	vadd.f32 v43, v44  }
0x79: {  	v7 =	vadd.f32 v47, v19;
	v5 =	vcvt.f32.s32 v5;
	v3 =	vcvt.f32.s32 v3  }
0x7a: {  	v14 =	vadd.f32 v21, v45;
	v2 =	vmul.f32 $6.500000000e+00, v2;
	v50 =	vcvt.f32.s32 v9  }
0x7b: {  	v12 =	vshll.u32 v12, $0x4;
	v1 =	vtrunc.f32 v1;
	v6 =	vtrunc.f32 v6  }
0x7c: {  	v12 =	vor.u32 v0, v12;
	v48 =	vmul.f32 $6.500000000e+00, v18;
	v8 =	vmul.f32 $6.500000000e+00, v8  }
0x7d: {  	v15 =	vmul.u32 $0xD, v15;
	v7 =	vmul.f32 $6.500000000e+00, v7;
	v14 =	vmul.f32 $6.500000000e+00, v14  }
0x7e: {  	v5 =	vmul.u32 $0xD, v5;
	v1 =	vcvt.f32.s32 v1;
	v2 =	vtrunc.f32 v2  }
0x7f: {  	v3 =	vadd.s32 v3, v15;
	v6 =	vcvt.f32.s32 v6;
	v13 =	vtrunc.f32 v48  }
0x80: {  	v4 =	vmul.u32 $0xD, v50;
	v52 =	vtrunc.f32 v14;
	v7 =	vtrunc.f32 v7  }
0x81: {  	v3 =	vshll.u32 v3, $0x4;
	v8 =	vtrunc.f32 v8;
	v2 =	vcvt.f32.s32 v2  }
0x82: {  	v1 =	vmul.u32 $0xD, v1;
	v61 =	vadd.s32 v10, v5;
	v51 =	vcvt.f32.s32 v13  }
0x83: {  	v3 =	vor.u32 v0, v3;
	v8 =	vcvt.f32.s32 v8;
	v7 =	vcvt.f32.s32 v7  }
0x84: {  	v54 =	vcvt.f32.s32 v52;
	v6 =	vmul.u32 $0xD, v6;
	v62 =	vshll.u32 v61, $0x4  }
0x85: {  	[tilespmem:$0x1040] =	vst v12;
	v4 =	vadd.s32 v53, v4;
	v1 =	vadd.s32 v2, v1;
	v63 =	vor.u32 v0, v62  }
0x86: {  	[tilespmem:$0x1030] =	vst v3;
	v9 =	vmul.u32 $0xD, v51;
	v55 =	vadd.s32 v54, v6;
	v1 =	vshll.u32 v1, $0x4  }
0x87: {  	v8 =	vmul.u32 $0xD, v8;
	[tilespmem:$0x1020] =	vst v63;
	v3 =	vshll.u32 v55, $0x4;
	v1 =	vor.u32 v0, v1  }
0x88: {  	v60 =	vshll.u32 v4, $0x4;
	v7 =	vadd.s32 v7, v9;
	v59 =	vor.u32 v0, v3;
	[tilespmem:$0x1000] =	vst v1  }
0x89: {  	v8 =	vadd.s32 v11, v8;
	v3 =	vor.u32 v0, v60;
	v7 =	vshll.u32 v7, $0x4;
	[tilespmem:$0x1060] =	vst v59  }
0x8a: {  	v57 =	vshll.u32 v8, $0x4;
	[tilespmem:$0x1010] =	vst v3;
	v56 =	vor.u32 v0, v7  }
0x8b: {  	v58 =	vor.u32 v0, v57;
	[tilespmem:$0x1050] =	vst v56  }
0x8c: {  	[tilespmem:$0x1070] =	vst v58  }
0x8d: {  	[tilespmem:s8], [sflag:$0x1] =	stream.indirect.gather [hbm4b:s5+s6], $0x80, s7, s6, $0xb8;
	[tilespmem:$0x5080] =	vst v63  }
0x8e: {  	_ =	swait.ge [sflag:s9], $0x4000  }
0x8f: {  	[sflag:s9] =	ssyncset.done $0x0  }
0x90: {  	[sflag:s9] =	ssyncadd.s32 $0xFFFFC000  }
0x91: {  	[hbm4b:s4+s3] =	stream.linear.scatter [tilespmem:s8], [sflag:$0x2], $0x4000, $0x38;
	[tilespmem:$0x5080] =	vst v63  }
0x92: {  	_ =	swait.ge [sflag:s2], $0x4000  }
0x93: {  	[sflag:s2] =	ssyncset.done $0x0  }
0x94: {  	[sflag:s2] =	ssyncadd.s32 $0xFFFFC000  }
.LBB2_4:
0x95: {  	_ =	sfence.sel $0x180000  }
0x96: {  	[bflag:$0x0] =	sbarrier.arrive $0xFFFF  }
0x97: {  	p0 =	sne.s32 s0, $0x0;
	_ =	strace $0x90000047  }
0x98: {  	s0 =	sadd.s32 @!p0 $0x100000, s1;
	[bflag:$0x2] =	sbarrier.arrive $0xFFFF  }
0x99: {  	[sflag:s0] =	ssyncadd.tile.s32 @!p0 $0x1;
	_ =	shalt  }
.Lfunc_end2:
_tile_overlayer_lowered:
.L_overlay_start_2:
0x9a: {  	(tag) =	ssettag $0x2  }
0x9b: {  	s0 =	rddreg [dreg:$0x0];
	s2 =	stileid.u32  }
0x9c: {  	s1 =	rddreg [dreg:$0x1];
	p0 =	sne.s32 s2, $0x0  }
0x9d: {  	s3 =	rddreg [dreg:$0x2];
	[bflag:$0x3] =	sbarrier.arrive $0xFFFF;
	s2 =	simm.s32 @!p0 $0x1C02  }
0x9e: {  	[timem:s3], [sflag:s2] =	dma.local @!p0 [hbm:s0], s1  }
0x9f: {  	s0 =	simm.s32 @!p0 $0x2  }
0xa0: {  	_ =	swait.ge @!p0 [sflag:s0], s1  }
0xa1: {  	s1 =	ssub.s32 @!p0 $0x0, s1;
	[sflag:s0] =	ssyncset.done @!p0 $0x0  }
0xa2: {  	[sflag:s0] =	ssyncadd.s32 @!p0 s1  }
0xa3: {  	[bflag:$0x3] =	sbarrier.arrive $0xFFFF  }
0xa4: {  	_ =	shalt  }

</sc_bundles>
